<compile_context>
chip_gen: v7x
topology: tpu7x:2x2x1
jax: 0.10.2.dev20260603
libtpu: 0.0.44.dev20260713+nightly
codegen_flags: <defaults>
</compile_context>

<pallas_src>
import functools

import jax
import jax.numpy as jnp
from jax import lax
from jax.experimental import pallas as pl
from jax.experimental.pallas import tpu as pltpu
from jax.experimental.pallas import tpu_sc as plsc

BATCH = 16384
N_FIELDS = 26
FIELD_DIM = 100000
TOTAL_ROWS = N_FIELDS * FIELD_DIM

SPLIT = (TOTAL_ROWS // 1024) * 1024
TAIL = TOTAL_ROWS - SPLIT

NUM_CORES = 2
NUM_SUBCORES = 16
NUM_WORKERS = NUM_CORES * NUM_SUBCORES
ROWS_PER_W = BATCH // NUM_WORKERS
FLAT_PER_W = ROWS_PER_W * N_FIELDS
LANES = 16
BLKS = ROWS_PER_W // LANES
HALF = N_FIELDS // 2
HFLAT = HALF * ROWS_PER_W

_mesh = plsc.VectorSubcoreMesh(core_axis_name="c", subcore_axis_name="s")

_RETILE_BLOCK = 524288
_RETILE_GRID = -(-SPLIT // _RETILE_BLOCK)


def _retile_body(src_ref, dst_ref):
    dst_ref[...] = src_ref[0]


_w_linearize = pl.pallas_call(
    _retile_body,
    grid=(_RETILE_GRID,),
    out_shape=jax.ShapeDtypeStruct((SPLIT,), jnp.float32),
    in_specs=[pl.BlockSpec((1, _RETILE_BLOCK), lambda i: (0, i))],
    out_specs=pl.BlockSpec((_RETILE_BLOCK,), lambda i: (i,)),
)


@functools.partial(
    pl.kernel,
    mesh=_mesh,
    out_type=jax.ShapeDtypeStruct((BATCH,), jnp.float32),
    compiler_params=pltpu.CompilerParams(needs_layout_passes=False),
    scratch_types=[
        pltpu.VMEM((FLAT_PER_W,), jnp.int32),
        pltpu.VMEM((FLAT_PER_W,), jnp.float32),
        pltpu.VMEM((ROWS_PER_W,), jnp.int32),
        pltpu.VMEM((TAIL,), jnp.float32),
        pltpu.VMEM((ROWS_PER_W,), jnp.float32),
        pltpu.VMEM((ROWS_PER_W,), jnp.float32),
        pltpu.VMEM((LANES,), jnp.float32),
        pltpu.SemaphoreType.DMA,
        pltpu.SemaphoreType.DMA,
        pltpu.SemaphoreType.DMA,
        pltpu.SemaphoreType.DMA,
        pltpu.SemaphoreType.DMA,
        pltpu.SemaphoreType.DMA,
        pltpu.SemaphoreType.DMA,
        pltpu.SemaphoreType.DMA,
    ],
)
def _lr_sc(data_hbm, w_hbm, wtail_hbm, bias_hbm, out_hbm,
           idx_v, vals_v, tdelta_v, wtail_v, acc_v, out_v, bias_v,
           *sems):
    wid = lax.axis_index("s") * NUM_CORES + lax.axis_index("c")
    rbase = wid * ROWS_PER_W
    waves = [(0, 7), (7, 13), (13, 20), (20, 26)]
    ssems, gsems = sems[:4], sems[4:]

    def stage(f, sem):
        return pltpu.make_async_copy(
            data_hbm.at[f, pl.ds(rbase, ROWS_PER_W)],
            idx_v.at[pl.ds(f * ROWS_PER_W, ROWS_PER_W)],
            sem,
        )

    stage_waves = [
        [stage(f, ssems[k]) for f in range(lo, hi)]
        for k, (lo, hi) in enumerate(waves)
    ]
    for wave in stage_waves:
        for c in wave:
            c.start()

    split_hi = jnp.full((LANES,), SPLIT - 1, jnp.int32)

    def add_offsets(lo_f, hi_f):
        def body(i, carry):
            f = lo_f + i // BLKS
            p0 = f * ROWS_PER_W + (i % BLKS) * LANES
            v = idx_v[pl.ds(p0, LANES)]
            idx_v[pl.ds(p0, LANES)] = jnp.minimum(v + f * FIELD_DIM, split_hi)
            return carry
        lax.fori_loop(0, (hi_f - lo_f) * BLKS, body, 0)

    def last_field(blk, carry):
        p0 = (N_FIELDS - 1) * ROWS_PER_W + blk * LANES
        v = idx_v[pl.ds(p0, LANES)]
        tdelta_v[pl.ds(blk * LANES, LANES)] = jnp.where(
            v >= FIELD_DIM - TAIL, v - (FIELD_DIM - TAIL) + 1, 0
        )
        idx_v[pl.ds(p0, LANES)] = jnp.minimum(
            v + (N_FIELDS - 1) * FIELD_DIM, split_hi
        )
        return carry

    gathers = []
    for k, (lo, hi) in enumerate(waves):
        for c in stage_waves[k]:
            c.wait()
        if hi == N_FIELDS:
            add_offsets(lo, hi - 1)
            lax.fori_loop(0, BLKS, last_field, 0)
        else:
            add_offsets(lo, hi)
        flat0, flatn = lo * ROWS_PER_W, (hi - lo) * ROWS_PER_W
        gathers.append(pltpu.async_copy(
            w_hbm.at[idx_v.at[pl.ds(flat0, flatn)]],
            vals_v.at[pl.ds(flat0, flatn)],
            gsems[k],
        ))
        if k == 0:
            pltpu.sync_copy(wtail_hbm, wtail_v)
            pltpu.sync_copy(bias_hbm, bias_v)

    bvec = bias_v[...]
    zero16 = jnp.zeros((LANES,), jnp.int32)

    for k, (lo, hi) in enumerate(waves):
        gathers[k].wait()

        def reduce_wave(blk, carry, lo=lo, hi=hi, first=(k == 0),
                        last=(k == len(waves) - 1)):
            r0 = blk * LANES
            acc = bvec if first else acc_v[pl.ds(r0, LANES)]
            for f in range(lo, hi - 1 if last else hi):
                acc = acc + vals_v[pl.ds(f * ROWS_PER_W + r0, LANES)]
            if last:
                g = vals_v[pl.ds((N_FIELDS - 1) * ROWS_PER_W + r0, LANES)]
                d = tdelta_v[pl.ds(r0, LANES)]
                tv = plsc.load_gather(wtail_v, [jnp.maximum(d - 1, zero16)])
                acc = acc + jnp.where(d > 0, tv, g)
                out_v[pl.ds(r0, LANES)] = 1.0 / (1.0 + jnp.exp(-acc))
            else:
                acc_v[pl.ds(r0, LANES)] = acc
            return carry

        lax.fori_loop(0, BLKS, reduce_wave, 0)

    pltpu.sync_copy(out_v, out_hbm.at[pl.ds(rbase, ROWS_PER_W)])


def kernel(data, W, bias):
    w_main = _w_linearize(W.T)
    w_tail = lax.slice(W, (SPLIT, 0), (TOTAL_ROWS, 1)).reshape(-1)
    bias16 = jnp.broadcast_to(bias.astype(jnp.float32), (LANES,))
    return _lr_sc(data.T, w_main, w_tail, bias16)

# --- scband reference (transcript-rebuilt; emitter-appended) ---
"""Pipeline reference for scband-lr-69767448756287 (READ-ONLY COPY).

The authoritative reference and input builder live on the scoring server;
editing this copy changes nothing except your own understanding.
"""

import jax, jax.numpy as jnp
import numpy as np

BATCH = 16384
N_FIELDS = 26
FIELD_DIM = 100000
FEATURE_DIMS = [FIELD_DIM] * N_FIELDS
TOTAL_ROWS = sum(FEATURE_DIMS)


def setup_inputs(seed: int = 0) -> dict:
    key = jax.random.key(seed)
    k1, k2 = jax.random.split(key)
    # per input_specs: indices int64[B, n_fields], values in [0, vocab)
    data = jax.random.randint(k1, (BATCH, N_FIELDS), 0, FIELD_DIM, dtype=jnp.int32)
    # learned parameters: Feature_Embedding_Sum with out_dim=1 ->
    # a single fused embedding table over sum(feature_dims) rows, plus bias
    W = jax.random.normal(k2, (TOTAL_ROWS, 1), dtype=jnp.float32) * 0.01
    bias = jnp.zeros((1,), dtype=jnp.float32)
    return {"data": data, "W": W, "bias": bias}


def reference(data, W, bias):
    # offsets map per-field local ids into the fused table (fields all size FIELD_DIM)
    offsets = jnp.asarray(np.concatenate([[0], np.cumsum(FEATURE_DIMS)[:-1]]), dtype=data.dtype)
    idx = data + offsets[None, :]              # [B, n_fields]
    emb = jnp.take(W, idx, axis=0)             # [B, n_fields, 1] (SparseCore gather)
    out = jnp.sum(emb, axis=1) + bias          # [B, 1] Feature_Embedding_Sum
    out = jax.nn.sigmoid(out)                  # nn.Sigmoid
    return out.squeeze(1)                      # .squeeze(1) -> [B]

if __name__ == "__main__":
    import jax
    _d = setup_inputs()
    print(jax.jit(kernel)(*tuple(_d.values())))

</pallas_src>

<mosaic_0001>
#map = affine_map<(d0, d1) -> (0, 0)>
#map1 = affine_map<(d0, d1) -> (0)>
module attributes {stable_mosaic.version = 14 : i64} {
  func.func @_lr_sc(%arg0: i32, %arg1: i32, %arg2: memref<26x16384xi32, #tpu.memory_space<hbm>>, %arg3: memref<2599936xf32, #tpu.memory_space<hbm>>, %arg4: memref<64xf32, #tpu.memory_space<hbm>>, %arg5: memref<16xf32, #tpu.memory_space<hbm>>, %arg6: memref<16384xf32, #tpu.memory_space<hbm>>, %arg7: memref<13312xi32, #tpu.memory_space<vmem>>, %arg8: memref<13312xf32, #tpu.memory_space<vmem>>, %arg9: memref<512xi32, #tpu.memory_space<vmem>>, %arg10: memref<64xf32, #tpu.memory_space<vmem>>, %arg11: memref<512xf32, #tpu.memory_space<vmem>>, %arg12: memref<512xf32, #tpu.memory_space<vmem>>, %arg13: memref<16xf32, #tpu.memory_space<vmem>>, %arg14: memref<!tpu.dma_semaphore, #tpu.memory_space<semaphore_mem>>, %arg15: memref<!tpu.dma_semaphore, #tpu.memory_space<semaphore_mem>>, %arg16: memref<!tpu.dma_semaphore, #tpu.memory_space<semaphore_mem>>, %arg17: memref<!tpu.dma_semaphore, #tpu.memory_space<semaphore_mem>>, %arg18: memref<!tpu.dma_semaphore, #tpu.memory_space<semaphore_mem>>, %arg19: memref<!tpu.dma_semaphore, #tpu.memory_space<semaphore_mem>>, %arg20: memref<!tpu.dma_semaphore, #tpu.memory_space<semaphore_mem>>, %arg21: memref<!tpu.dma_semaphore, #tpu.memory_space<semaphore_mem>>) attributes {dimension_semantics = [#tpu.dimension_semantics<core_parallel>, #tpu.dimension_semantics<subcore_parallel>], iteration_bounds = array<i64: 2, 16>, scalar_prefetch = 0 : i64, scratch_operands = 15 : i64, tpu.core_type = #tpu.core_type<sc_vector_subcore>, window_params = [{transform_indices = #map}, {transform_indices = #map1}, {transform_indices = #map1}, {transform_indices = #map1}, {transform_indices = #map1}]} {
    %mul3A = arith.constant 2 : i32
    %mul3A_0 = arith.muli %arg1, %mul3A : i32
    %add3A = arith.addi %mul3A_0, %arg0 : i32
    %mul3A_1 = arith.constant 512 : i32
    %mul3A_2 = arith.muli %add3A, %mul3A_1 : i32
    %dma_start3A = arith.constant 0 : i32
    %dma_start3A_3 = arith.constant 0 : i32
    %dma_start3A_4 = tpu.memref_slice %arg7[%dma_start3A_3] : memref<13312xi32, #tpu.memory_space<vmem>> -> memref<512xi32, #tpu.memory_space<vmem>>
    %dma_start3A_5 = tpu.memref_slice %arg2[%dma_start3A, %mul3A_2] : memref<26x16384xi32, #tpu.memory_space<hbm>> -> memref<1x512xi32, #tpu.memory_space<hbm>>
    %dma_start3A_6 = tpu.memref_squeeze %dma_start3A_5 : memref<1x512xi32, #tpu.memory_space<hbm>> -> memref<512xi32, #tpu.memory_space<hbm>>
    %dma_start3A_7 = arith.constant 0 : i32
    %dma_start3A_8 = tpu.memref_slice %arg7[%dma_start3A_7] : memref<13312xi32, #tpu.memory_space<vmem>> -> memref<512xi32, #tpu.memory_space<vmem>>
    %dma_start3A_9 = tpu.memref_slice %arg2[%dma_start3A, %mul3A_2] : memref<26x16384xi32, #tpu.memory_space<hbm>> -> memref<1x512xi32, #tpu.memory_space<hbm>>
    %dma_start3A_10 = tpu.memref_squeeze %dma_start3A_9 : memref<1x512xi32, #tpu.memory_space<hbm>> -> memref<512xi32, #tpu.memory_space<hbm>>
    tpu.enqueue_dma source(%dma_start3A_10 : memref<512xi32, #tpu.memory_space<hbm>>) target(%dma_start3A_8 : memref<512xi32, #tpu.memory_space<vmem>>) target_semaphore(%arg14 : memref<!tpu.dma_semaphore, #tpu.memory_space<semaphore_mem>>)
    %dma_start3A_11 = arith.constant 1 : i32
    %dma_start3A_12 = arith.constant 512 : i32
    %dma_start3A_13 = tpu.memref_slice %arg7[%dma_start3A_12] : memref<13312xi32, #tpu.memory_space<vmem>> -> memref<512xi32, #tpu.memory_space<vmem>>
    %dma_start3A_14 = tpu.memref_slice %arg2[%dma_start3A_11, %mul3A_2] : memref<26x16384xi32, #tpu.memory_space<hbm>> -> memref<1x512xi32, #tpu.memory_space<hbm>>
    %dma_start3A_15 = tpu.memref_squeeze %dma_start3A_14 : memref<1x512xi32, #tpu.memory_space<hbm>> -> memref<512xi32, #tpu.memory_space<hbm>>
    %dma_start3A_16 = arith.constant 512 : i32
    %dma_start3A_17 = tpu.memref_slice %arg7[%dma_start3A_16] : memref<13312xi32, #tpu.memory_space<vmem>> -> memref<512xi32, #tpu.memory_space<vmem>>
    %dma_start3A_18 = tpu.memref_slice %arg2[%dma_start3A_11, %mul3A_2] : memref<26x16384xi32, #tpu.memory_space<hbm>> -> memref<1x512xi32, #tpu.memory_space<hbm>>
    %dma_start3A_19 = tpu.memref_squeeze %dma_start3A_18 : memref<1x512xi32, #tpu.memory_space<hbm>> -> memref<512xi32, #tpu.memory_space<hbm>>
    tpu.enqueue_dma source(%dma_start3A_19 : memref<512xi32, #tpu.memory_space<hbm>>) target(%dma_start3A_17 : memref<512xi32, #tpu.memory_space<vmem>>) target_semaphore(%arg14 : memref<!tpu.dma_semaphore, #tpu.memory_space<semaphore_mem>>)
    %dma_start3A_20 = arith.constant 2 : i32
    %dma_start3A_21 = arith.constant 1024 : i32
    %dma_start3A_22 = tpu.memref_slice %arg7[%dma_start3A_21] : memref<13312xi32, #tpu.memory_space<vmem>> -> memref<512xi32, #tpu.memory_space<vmem>>
    %dma_start3A_23 = tpu.memref_slice %arg2[%dma_start3A_20, %mul3A_2] : memref<26x16384xi32, #tpu.memory_space<hbm>> -> memref<1x512xi32, #tpu.memory_space<hbm>>
    %dma_start3A_24 = tpu.memref_squeeze %dma_start3A_23 : memref<1x512xi32, #tpu.memory_space<hbm>> -> memref<512xi32, #tpu.memory_space<hbm>>
    %dma_start3A_25 = arith.constant 1024 : i32
    %dma_start3A_26 = tpu.memref_slice %arg7[%dma_start3A_25] : memref<13312xi32, #tpu.memory_space<vmem>> -> memref<512xi32, #tpu.memory_space<vmem>>
    %dma_start3A_27 = tpu.memref_slice %arg2[%dma_start3A_20, %mul3A_2] : memref<26x16384xi32, #tpu.memory_space<hbm>> -> memref<1x512xi32, #tpu.memory_space<hbm>>
    %dma_start3A_28 = tpu.memref_squeeze %dma_start3A_27 : memref<1x512xi32, #tpu.memory_space<hbm>> -> memref<512xi32, #tpu.memory_space<hbm>>
    tpu.enqueue_dma source(%dma_start3A_28 : memref<512xi32, #tpu.memory_space<hbm>>) target(%dma_start3A_26 : memref<512xi32, #tpu.memory_space<vmem>>) target_semaphore(%arg14 : memref<!tpu.dma_semaphore, #tpu.memory_space<semaphore_mem>>)
    %dma_start3A_29 = arith.constant 3 : i32
    %dma_start3A_30 = arith.constant 1536 : i32
    %dma_start3A_31 = tpu.memref_slice %arg7[%dma_start3A_30] : memref<13312xi32, #tpu.memory_space<vmem>> -> memref<512xi32, #tpu.memory_space<vmem>>
    %dma_start3A_32 = tpu.memref_slice %arg2[%dma_start3A_29, %mul3A_2] : memref<26x16384xi32, #tpu.memory_space<hbm>> -> memref<1x512xi32, #tpu.memory_space<hbm>>
    %dma_start3A_33 = tpu.memref_squeeze %dma_start3A_32 : memref<1x512xi32, #tpu.memory_space<hbm>> -> memref<512xi32, #tpu.memory_space<hbm>>
    %dma_start3A_34 = arith.constant 1536 : i32
    %dma_start3A_35 = tpu.memref_slice %arg7[%dma_start3A_34] : memref<13312xi32, #tpu.memory_space<vmem>> -> memref<512xi32, #tpu.memory_space<vmem>>
    %dma_start3A_36 = tpu.memref_slice %arg2[%dma_start3A_29, %mul3A_2] : memref<26x16384xi32, #tpu.memory_space<hbm>> -> memref<1x512xi32, #tpu.memory_space<hbm>>
    %dma_start3A_37 = tpu.memref_squeeze %dma_start3A_36 : memref<1x512xi32, #tpu.memory_space<hbm>> -> memref<512xi32, #tpu.memory_space<hbm>>
    tpu.enqueue_dma source(%dma_start3A_37 : memref<512xi32, #tpu.memory_space<hbm>>) target(%dma_start3A_35 : memref<512xi32, #tpu.memory_space<vmem>>) target_semaphore(%arg14 : memref<!tpu.dma_semaphore, #tpu.memory_space<semaphore_mem>>)
    %dma_start3A_38 = arith.constant 4 : i32
    %dma_start3A_39 = arith.constant 2048 : i32
    %dma_start3A_40 = tpu.memref_slice %arg7[%dma_start3A_39] : memref<13312xi32, #tpu.memory_space<vmem>> -> memref<512xi32, #tpu.memory_space<vmem>>
    %dma_start3A_41 = tpu.memref_slice %arg2[%dma_start3A_38, %mul3A_2] : memref<26x16384xi32, #tpu.memory_space<hbm>> -> memref<1x512xi32, #tpu.memory_space<hbm>>
    %dma_start3A_42 = tpu.memref_squeeze %dma_start3A_41 : memref<1x512xi32, #tpu.memory_space<hbm>> -> memref<512xi32, #tpu.memory_space<hbm>>
    %dma_start3A_43 = arith.constant 2048 : i32
    %dma_start3A_44 = tpu.memref_slice %arg7[%dma_start3A_43] : memref<13312xi32, #tpu.memory_space<vmem>> -> memref<512xi32, #tpu.memory_space<vmem>>
    %dma_start3A_45 = tpu.memref_slice %arg2[%dma_start3A_38, %mul3A_2] : memref<26x16384xi32, #tpu.memory_space<hbm>> -> memref<1x512xi32, #tpu.memory_space<hbm>>
    %dma_start3A_46 = tpu.memref_squeeze %dma_start3A_45 : memref<1x512xi32, #tpu.memory_space<hbm>> -> memref<512xi32, #tpu.memory_space<hbm>>
    tpu.enqueue_dma source(%dma_start3A_46 : memref<512xi32, #tpu.memory_space<hbm>>) target(%dma_start3A_44 : memref<512xi32, #tpu.memory_space<vmem>>) target_semaphore(%arg14 : memref<!tpu.dma_semaphore, #tpu.memory_space<semaphore_mem>>)
    %dma_start3A_47 = arith.constant 5 : i32
    %dma_start3A_48 = arith.constant 2560 : i32
    %dma_start3A_49 = tpu.memref_slice %arg7[%dma_start3A_48] : memref<13312xi32, #tpu.memory_space<vmem>> -> memref<512xi32, #tpu.memory_space<vmem>>
    %dma_start3A_50 = tpu.memref_slice %arg2[%dma_start3A_47, %mul3A_2] : memref<26x16384xi32, #tpu.memory_space<hbm>> -> memref<1x512xi32, #tpu.memory_space<hbm>>
    %dma_start3A_51 = tpu.memref_squeeze %dma_start3A_50 : memref<1x512xi32, #tpu.memory_space<hbm>> -> memref<512xi32, #tpu.memory_space<hbm>>
    %dma_start3A_52 = arith.constant 2560 : i32
    %dma_start3A_53 = tpu.memref_slice %arg7[%dma_start3A_52] : memref<13312xi32, #tpu.memory_space<vmem>> -> memref<512xi32, #tpu.memory_space<vmem>>
    %dma_start3A_54 = tpu.memref_slice %arg2[%dma_start3A_47, %mul3A_2] : memref<26x16384xi32, #tpu.memory_space<hbm>> -> memref<1x512xi32, #tpu.memory_space<hbm>>
    %dma_start3A_55 = tpu.memref_squeeze %dma_start3A_54 : memref<1x512xi32, #tpu.memory_space<hbm>> -> memref<512xi32, #tpu.memory_space<hbm>>
    tpu.enqueue_dma source(%dma_start3A_55 : memref<512xi32, #tpu.memory_space<hbm>>) target(%dma_start3A_53 : memref<512xi32, #tpu.memory_space<vmem>>) target_semaphore(%arg14 : memref<!tpu.dma_semaphore, #tpu.memory_space<semaphore_mem>>)
    %dma_start3A_56 = arith.constant 6 : i32
    %dma_start3A_57 = arith.constant 3072 : i32
    %dma_start3A_58 = tpu.memref_slice %arg7[%dma_start3A_57] : memref<13312xi32, #tpu.memory_space<vmem>> -> memref<512xi32, #tpu.memory_space<vmem>>
    %dma_start3A_59 = tpu.memref_slice %arg2[%dma_start3A_56, %mul3A_2] : memref<26x16384xi32, #tpu.memory_space<hbm>> -> memref<1x512xi32, #tpu.memory_space<hbm>>
    %dma_start3A_60 = tpu.memref_squeeze %dma_start3A_59 : memref<1x512xi32, #tpu.memory_space<hbm>> -> memref<512xi32, #tpu.memory_space<hbm>>
    %dma_start3A_61 = arith.constant 3072 : i32
    %dma_start3A_62 = tpu.memref_slice %arg7[%dma_start3A_61] : memref<13312xi32, #tpu.memory_space<vmem>> -> memref<512xi32, #tpu.memory_space<vmem>>
    %dma_start3A_63 = tpu.memref_slice %arg2[%dma_start3A_56, %mul3A_2] : memref<26x16384xi32, #tpu.memory_space<hbm>> -> memref<1x512xi32, #tpu.memory_space<hbm>>
    %dma_start3A_64 = tpu.memref_squeeze %dma_start3A_63 : memref<1x512xi32, #tpu.memory_space<hbm>> -> memref<512xi32, #tpu.memory_space<hbm>>
    tpu.enqueue_dma source(%dma_start3A_64 : memref<512xi32, #tpu.memory_space<hbm>>) target(%dma_start3A_62 : memref<512xi32, #tpu.memory_space<vmem>>) target_semaphore(%arg14 : memref<!tpu.dma_semaphore, #tpu.memory_space<semaphore_mem>>)
    %dma_start3A_65 = arith.constant 7 : i32
    %dma_start3A_66 = arith.constant 3584 : i32
    %dma_start3A_67 = tpu.memref_slice %arg7[%dma_start3A_66] : memref<13312xi32, #tpu.memory_space<vmem>> -> memref<512xi32, #tpu.memory_space<vmem>>
    %dma_start3A_68 = tpu.memref_slice %arg2[%dma_start3A_65, %mul3A_2] : memref<26x16384xi32, #tpu.memory_space<hbm>> -> memref<1x512xi32, #tpu.memory_space<hbm>>
    %dma_start3A_69 = tpu.memref_squeeze %dma_start3A_68 : memref<1x512xi32, #tpu.memory_space<hbm>> -> memref<512xi32, #tpu.memory_space<hbm>>
    %dma_start3A_70 = arith.constant 3584 : i32
    %dma_start3A_71 = tpu.memref_slice %arg7[%dma_start3A_70] : memref<13312xi32, #tpu.memory_space<vmem>> -> memref<512xi32, #tpu.memory_space<vmem>>
    %dma_start3A_72 = tpu.memref_slice %arg2[%dma_start3A_65, %mul3A_2] : memref<26x16384xi32, #tpu.memory_space<hbm>> -> memref<1x512xi32, #tpu.memory_space<hbm>>
    %dma_start3A_73 = tpu.memref_squeeze %dma_start3A_72 : memref<1x512xi32, #tpu.memory_space<hbm>> -> memref<512xi32, #tpu.memory_space<hbm>>
    tpu.enqueue_dma source(%dma_start3A_73 : memref<512xi32, #tpu.memory_space<hbm>>) target(%dma_start3A_71 : memref<512xi32, #tpu.memory_space<vmem>>) target_semaphore(%arg15 : memref<!tpu.dma_semaphore, #tpu.memory_space<semaphore_mem>>)
    %dma_start3A_74 = arith.constant 8 : i32
    %dma_start3A_75 = arith.constant 4096 : i32
    %dma_start3A_76 = tpu.memref_slice %arg7[%dma_start3A_75] : memref<13312xi32, #tpu.memory_space<vmem>> -> memref<512xi32, #tpu.memory_space<vmem>>
    %dma_start3A_77 = tpu.memref_slice %arg2[%dma_start3A_74, %mul3A_2] : memref<26x16384xi32, #tpu.memory_space<hbm>> -> memref<1x512xi32, #tpu.memory_space<hbm>>
    %dma_start3A_78 = tpu.memref_squeeze %dma_start3A_77 : memref<1x512xi32, #tpu.memory_space<hbm>> -> memref<512xi32, #tpu.memory_space<hbm>>
    %dma_start3A_79 = arith.constant 4096 : i32
    %dma_start3A_80 = tpu.memref_slice %arg7[%dma_start3A_79] : memref<13312xi32, #tpu.memory_space<vmem>> -> memref<512xi32, #tpu.memory_space<vmem>>
    %dma_start3A_81 = tpu.memref_slice %arg2[%dma_start3A_74, %mul3A_2] : memref<26x16384xi32, #tpu.memory_space<hbm>> -> memref<1x512xi32, #tpu.memory_space<hbm>>
    %dma_start3A_82 = tpu.memref_squeeze %dma_start3A_81 : memref<1x512xi32, #tpu.memory_space<hbm>> -> memref<512xi32, #tpu.memory_space<hbm>>
    tpu.enqueue_dma source(%dma_start3A_82 : memref<512xi32, #tpu.memory_space<hbm>>) target(%dma_start3A_80 : memref<512xi32, #tpu.memory_space<vmem>>) target_semaphore(%arg15 : memref<!tpu.dma_semaphore, #tpu.memory_space<semaphore_mem>>)
    %dma_start3A_83 = arith.constant 9 : i32
    %dma_start3A_84 = arith.constant 4608 : i32
    %dma_start3A_85 = tpu.memref_slice %arg7[%dma_start3A_84] : memref<13312xi32, #tpu.memory_space<vmem>> -> memref<512xi32, #tpu.memory_space<vmem>>
    %dma_start3A_86 = tpu.memref_slice %arg2[%dma_start3A_83, %mul3A_2] : memref<26x16384xi32, #tpu.memory_space<hbm>> -> memref<1x512xi32, #tpu.memory_space<hbm>>
    %dma_start3A_87 = tpu.memref_squeeze %dma_start3A_86 : memref<1x512xi32, #tpu.memory_space<hbm>> -> memref<512xi32, #tpu.memory_space<hbm>>
    %dma_start3A_88 = arith.constant 4608 : i32
    %dma_start3A_89 = tpu.memref_slice %arg7[%dma_start3A_88] : memref<13312xi32, #tpu.memory_space<vmem>> -> memref<512xi32, #tpu.memory_space<vmem>>
    %dma_start3A_90 = tpu.memref_slice %arg2[%dma_start3A_83, %mul3A_2] : memref<26x16384xi32, #tpu.memory_space<hbm>> -> memref<1x512xi32, #tpu.memory_space<hbm>>
    %dma_start3A_91 = tpu.memref_squeeze %dma_start3A_90 : memref<1x512xi32, #tpu.memory_space<hbm>> -> memref<512xi32, #tpu.memory_space<hbm>>
    tpu.enqueue_dma source(%dma_start3A_91 : memref<512xi32, #tpu.memory_space<hbm>>) target(%dma_start3A_89 : memref<512xi32, #tpu.memory_space<vmem>>) target_semaphore(%arg15 : memref<!tpu.dma_semaphore, #tpu.memory_space<semaphore_mem>>)
    %dma_start3A_92 = arith.constant 10 : i32
    %dma_start3A_93 = arith.constant 5120 : i32
    %dma_start3A_94 = tpu.memref_slice %arg7[%dma_start3A_93] : memref<13312xi32, #tpu.memory_space<vmem>> -> memref<512xi32, #tpu.memory_space<vmem>>
    %dma_start3A_95 = tpu.memref_slice %arg2[%dma_start3A_92, %mul3A_2] : memref<26x16384xi32, #tpu.memory_space<hbm>> -> memref<1x512xi32, #tpu.memory_space<hbm>>
    %dma_start3A_96 = tpu.memref_squeeze %dma_start3A_95 : memref<1x512xi32, #tpu.memory_space<hbm>> -> memref<512xi32, #tpu.memory_space<hbm>>
    %dma_start3A_97 = arith.constant 5120 : i32
    %dma_start3A_98 = tpu.memref_slice %arg7[%dma_start3A_97] : memref<13312xi32, #tpu.memory_space<vmem>> -> memref<512xi32, #tpu.memory_space<vmem>>
    %dma_start3A_99 = tpu.memref_slice %arg2[%dma_start3A_92, %mul3A_2] : memref<26x16384xi32, #tpu.memory_space<hbm>> -> memref<1x512xi32, #tpu.memory_space<hbm>>
    %dma_start3A_100 = tpu.memref_squeeze %dma_start3A_99 : memref<1x512xi32, #tpu.memory_space<hbm>> -> memref<512xi32, #tpu.memory_space<hbm>>
    tpu.enqueue_dma source(%dma_start3A_100 : memref<512xi32, #tpu.memory_space<hbm>>) target(%dma_start3A_98 : memref<512xi32, #tpu.memory_space<vmem>>) target_semaphore(%arg15 : memref<!tpu.dma_semaphore, #tpu.memory_space<semaphore_mem>>)
    %dma_start3A_101 = arith.constant 11 : i32
    %dma_start3A_102 = arith.constant 5632 : i32
    %dma_start3A_103 = tpu.memref_slice %arg7[%dma_start3A_102] : memref<13312xi32, #tpu.memory_space<vmem>> -> memref<512xi32, #tpu.memory_space<vmem>>
    %dma_start3A_104 = tpu.memref_slice %arg2[%dma_start3A_101, %mul3A_2] : memref<26x16384xi32, #tpu.memory_space<hbm>> -> memref<1x512xi32, #tpu.memory_space<hbm>>
    %dma_start3A_105 = tpu.memref_squeeze %dma_start3A_104 : memref<1x512xi32, #tpu.memory_space<hbm>> -> memref<512xi32, #tpu.memory_space<hbm>>
    %dma_start3A_106 = arith.constant 5632 : i32
    %dma_start3A_107 = tpu.memref_slice %arg7[%dma_start3A_106] : memref<13312xi32, #tpu.memory_space<vmem>> -> memref<512xi32, #tpu.memory_space<vmem>>
    %dma_start3A_108 = tpu.memref_slice %arg2[%dma_start3A_101, %mul3A_2] : memref<26x16384xi32, #tpu.memory_space<hbm>> -> memref<1x512xi32, #tpu.memory_space<hbm>>
    %dma_start3A_109 = tpu.memref_squeeze %dma_start3A_108 : memref<1x512xi32, #tpu.memory_space<hbm>> -> memref<512xi32, #tpu.memory_space<hbm>>
    tpu.enqueue_dma source(%dma_start3A_109 : memref<512xi32, #tpu.memory_space<hbm>>) target(%dma_start3A_107 : memref<512xi32, #tpu.memory_space<vmem>>) target_semaphore(%arg15 : memref<!tpu.dma_semaphore, #tpu.memory_space<semaphore_mem>>)
    %dma_start3A_110 = arith.constant 12 : i32
    %dma_start3A_111 = arith.constant 6144 : i32
    %dma_start3A_112 = tpu.memref_slice %arg7[%dma_start3A_111] : memref<13312xi32, #tpu.memory_space<vmem>> -> memref<512xi32, #tpu.memory_space<vmem>>
    %dma_start3A_113 = tpu.memref_slice %arg2[%dma_start3A_110, %mul3A_2] : memref<26x16384xi32, #tpu.memory_space<hbm>> -> memref<1x512xi32, #tpu.memory_space<hbm>>
    %dma_start3A_114 = tpu.memref_squeeze %dma_start3A_113 : memref<1x512xi32, #tpu.memory_space<hbm>> -> memref<512xi32, #tpu.memory_space<hbm>>
    %dma_start3A_115 = arith.constant 6144 : i32
    %dma_start3A_116 = tpu.memref_slice %arg7[%dma_start3A_115] : memref<13312xi32, #tpu.memory_space<vmem>> -> memref<512xi32, #tpu.memory_space<vmem>>
    %dma_start3A_117 = tpu.memref_slice %arg2[%dma_start3A_110, %mul3A_2] : memref<26x16384xi32, #tpu.memory_space<hbm>> -> memref<1x512xi32, #tpu.memory_space<hbm>>
    %dma_start3A_118 = tpu.memref_squeeze %dma_start3A_117 : memref<1x512xi32, #tpu.memory_space<hbm>> -> memref<512xi32, #tpu.memory_space<hbm>>
    tpu.enqueue_dma source(%dma_start3A_118 : memref<512xi32, #tpu.memory_space<hbm>>) target(%dma_start3A_116 : memref<512xi32, #tpu.memory_space<vmem>>) target_semaphore(%arg15 : memref<!tpu.dma_semaphore, #tpu.memory_space<semaphore_mem>>)
    %dma_start3A_119 = arith.constant 13 : i32
    %dma_start3A_120 = arith.constant 6656 : i32
    %dma_start3A_121 = tpu.memref_slice %arg7[%dma_start3A_120] : memref<13312xi32, #tpu.memory_space<vmem>> -> memref<512xi32, #tpu.memory_space<vmem>>
    %dma_start3A_122 = tpu.memref_slice %arg2[%dma_start3A_119, %mul3A_2] : memref<26x16384xi32, #tpu.memory_space<hbm>> -> memref<1x512xi32, #tpu.memory_space<hbm>>
    %dma_start3A_123 = tpu.memref_squeeze %dma_start3A_122 : memref<1x512xi32, #tpu.memory_space<hbm>> -> memref<512xi32, #tpu.memory_space<hbm>>
    %dma_start3A_124 = arith.constant 6656 : i32
    %dma_start3A_125 = tpu.memref_slice %arg7[%dma_start3A_124] : memref<13312xi32, #tpu.memory_space<vmem>> -> memref<512xi32, #tpu.memory_space<vmem>>
    %dma_start3A_126 = tpu.memref_slice %arg2[%dma_start3A_119, %mul3A_2] : memref<26x16384xi32, #tpu.memory_space<hbm>> -> memref<1x512xi32, #tpu.memory_space<hbm>>
    %dma_start3A_127 = tpu.memref_squeeze %dma_start3A_126 : memref<1x512xi32, #tpu.memory_space<hbm>> -> memref<512xi32, #tpu.memory_space<hbm>>
    tpu.enqueue_dma source(%dma_start3A_127 : memref<512xi32, #tpu.memory_space<hbm>>) target(%dma_start3A_125 : memref<512xi32, #tpu.memory_space<vmem>>) target_semaphore(%arg16 : memref<!tpu.dma_semaphore, #tpu.memory_space<semaphore_mem>>)
    %dma_start3A_128 = arith.constant 14 : i32
    %dma_start3A_129 = arith.constant 7168 : i32
    %dma_start3A_130 = tpu.memref_slice %arg7[%dma_start3A_129] : memref<13312xi32, #tpu.memory_space<vmem>> -> memref<512xi32, #tpu.memory_space<vmem>>
    %dma_start3A_131 = tpu.memref_slice %arg2[%dma_start3A_128, %mul3A_2] : memref<26x16384xi32, #tpu.memory_space<hbm>> -> memref<1x512xi32, #tpu.memory_space<hbm>>
    %dma_start3A_132 = tpu.memref_squeeze %dma_start3A_131 : memref<1x512xi32, #tpu.memory_space<hbm>> -> memref<512xi32, #tpu.memory_space<hbm>>
    %dma_start3A_133 = arith.constant 7168 : i32
    %dma_start3A_134 = tpu.memref_slice %arg7[%dma_start3A_133] : memref<13312xi32, #tpu.memory_space<vmem>> -> memref<512xi32, #tpu.memory_space<vmem>>
    %dma_start3A_135 = tpu.memref_slice %arg2[%dma_start3A_128, %mul3A_2] : memref<26x16384xi32, #tpu.memory_space<hbm>> -> memref<1x512xi32, #tpu.memory_space<hbm>>
    %dma_start3A_136 = tpu.memref_squeeze %dma_start3A_135 : memref<1x512xi32, #tpu.memory_space<hbm>> -> memref<512xi32, #tpu.memory_space<hbm>>
    tpu.enqueue_dma source(%dma_start3A_136 : memref<512xi32, #tpu.memory_space<hbm>>) target(%dma_start3A_134 : memref<512xi32, #tpu.memory_space<vmem>>) target_semaphore(%arg16 : memref<!tpu.dma_semaphore, #tpu.memory_space<semaphore_mem>>)
    %dma_start3A_137 = arith.constant 15 : i32
    %dma_start3A_138 = arith.constant 7680 : i32
    %dma_start3A_139 = tpu.memref_slice %arg7[%dma_start3A_138] : memref<13312xi32, #tpu.memory_space<vmem>> -> memref<512xi32, #tpu.memory_space<vmem>>
    %dma_start3A_140 = tpu.memref_slice %arg2[%dma_start3A_137, %mul3A_2] : memref<26x16384xi32, #tpu.memory_space<hbm>> -> memref<1x512xi32, #tpu.memory_space<hbm>>
    %dma_start3A_141 = tpu.memref_squeeze %dma_start3A_140 : memref<1x512xi32, #tpu.memory_space<hbm>> -> memref<512xi32, #tpu.memory_space<hbm>>
    %dma_start3A_142 = arith.constant 7680 : i32
    %dma_start3A_143 = tpu.memref_slice %arg7[%dma_start3A_142] : memref<13312xi32, #tpu.memory_space<vmem>> -> memref<512xi32, #tpu.memory_space<vmem>>
    %dma_start3A_144 = tpu.memref_slice %arg2[%dma_start3A_137, %mul3A_2] : memref<26x16384xi32, #tpu.memory_space<hbm>> -> memref<1x512xi32, #tpu.memory_space<hbm>>
    %dma_start3A_145 = tpu.memref_squeeze %dma_start3A_144 : memref<1x512xi32, #tpu.memory_space<hbm>> -> memref<512xi32, #tpu.memory_space<hbm>>
    tpu.enqueue_dma source(%dma_start3A_145 : memref<512xi32, #tpu.memory_space<hbm>>) target(%dma_start3A_143 : memref<512xi32, #tpu.memory_space<vmem>>) target_semaphore(%arg16 : memref<!tpu.dma_semaphore, #tpu.memory_space<semaphore_mem>>)
    %dma_start3A_146 = arith.constant 16 : i32
    %dma_start3A_147 = arith.constant 8192 : i32
    %dma_start3A_148 = tpu.memref_slice %arg7[%dma_start3A_147] : memref<13312xi32, #tpu.memory_space<vmem>> -> memref<512xi32, #tpu.memory_space<vmem>>
    %dma_start3A_149 = tpu.memref_slice %arg2[%dma_start3A_146, %mul3A_2] : memref<26x16384xi32, #tpu.memory_space<hbm>> -> memref<1x512xi32, #tpu.memory_space<hbm>>
    %dma_start3A_150 = tpu.memref_squeeze %dma_start3A_149 : memref<1x512xi32, #tpu.memory_space<hbm>> -> memref<512xi32, #tpu.memory_space<hbm>>
    %dma_start3A_151 = arith.constant 8192 : i32
    %dma_start3A_152 = tpu.memref_slice %arg7[%dma_start3A_151] : memref<13312xi32, #tpu.memory_space<vmem>> -> memref<512xi32, #tpu.memory_space<vmem>>
    %dma_start3A_153 = tpu.memref_slice %arg2[%dma_start3A_146, %mul3A_2] : memref<26x16384xi32, #tpu.memory_space<hbm>> -> memref<1x512xi32, #tpu.memory_space<hbm>>
    %dma_start3A_154 = tpu.memref_squeeze %dma_start3A_153 : memref<1x512xi32, #tpu.memory_space<hbm>> -> memref<512xi32, #tpu.memory_space<hbm>>
    tpu.enqueue_dma source(%dma_start3A_154 : memref<512xi32, #tpu.memory_space<hbm>>) target(%dma_start3A_152 : memref<512xi32, #tpu.memory_space<vmem>>) target_semaphore(%arg16 : memref<!tpu.dma_semaphore, #tpu.memory_space<semaphore_mem>>)
    %dma_start3A_155 = arith.constant 17 : i32
    %dma_start3A_156 = arith.constant 8704 : i32
    %dma_start3A_157 = tpu.memref_slice %arg7[%dma_start3A_156] : memref<13312xi32, #tpu.memory_space<vmem>> -> memref<512xi32, #tpu.memory_space<vmem>>
    %dma_start3A_158 = tpu.memref_slice %arg2[%dma_start3A_155, %mul3A_2] : memref<26x16384xi32, #tpu.memory_space<hbm>> -> memref<1x512xi32, #tpu.memory_space<hbm>>
    %dma_start3A_159 = tpu.memref_squeeze %dma_start3A_158 : memref<1x512xi32, #tpu.memory_space<hbm>> -> memref<512xi32, #tpu.memory_space<hbm>>
    %dma_start3A_160 = arith.constant 8704 : i32
    %dma_start3A_161 = tpu.memref_slice %arg7[%dma_start3A_160] : memref<13312xi32, #tpu.memory_space<vmem>> -> memref<512xi32, #tpu.memory_space<vmem>>
    %dma_start3A_162 = tpu.memref_slice %arg2[%dma_start3A_155, %mul3A_2] : memref<26x16384xi32, #tpu.memory_space<hbm>> -> memref<1x512xi32, #tpu.memory_space<hbm>>
    %dma_start3A_163 = tpu.memref_squeeze %dma_start3A_162 : memref<1x512xi32, #tpu.memory_space<hbm>> -> memref<512xi32, #tpu.memory_space<hbm>>
    tpu.enqueue_dma source(%dma_start3A_163 : memref<512xi32, #tpu.memory_space<hbm>>) target(%dma_start3A_161 : memref<512xi32, #tpu.memory_space<vmem>>) target_semaphore(%arg16 : memref<!tpu.dma_semaphore, #tpu.memory_space<semaphore_mem>>)
    %dma_start3A_164 = arith.constant 18 : i32
    %dma_start3A_165 = arith.constant 9216 : i32
    %dma_start3A_166 = tpu.memref_slice %arg7[%dma_start3A_165] : memref<13312xi32, #tpu.memory_space<vmem>> -> memref<512xi32, #tpu.memory_space<vmem>>
    %dma_start3A_167 = tpu.memref_slice %arg2[%dma_start3A_164, %mul3A_2] : memref<26x16384xi32, #tpu.memory_space<hbm>> -> memref<1x512xi32, #tpu.memory_space<hbm>>
    %dma_start3A_168 = tpu.memref_squeeze %dma_start3A_167 : memref<1x512xi32, #tpu.memory_space<hbm>> -> memref<512xi32, #tpu.memory_space<hbm>>
    %dma_start3A_169 = arith.constant 9216 : i32
    %dma_start3A_170 = tpu.memref_slice %arg7[%dma_start3A_169] : memref<13312xi32, #tpu.memory_space<vmem>> -> memref<512xi32, #tpu.memory_space<vmem>>
    %dma_start3A_171 = tpu.memref_slice %arg2[%dma_start3A_164, %mul3A_2] : memref<26x16384xi32, #tpu.memory_space<hbm>> -> memref<1x512xi32, #tpu.memory_space<hbm>>
    %dma_start3A_172 = tpu.memref_squeeze %dma_start3A_171 : memref<1x512xi32, #tpu.memory_space<hbm>> -> memref<512xi32, #tpu.memory_space<hbm>>
    tpu.enqueue_dma source(%dma_start3A_172 : memref<512xi32, #tpu.memory_space<hbm>>) target(%dma_start3A_170 : memref<512xi32, #tpu.memory_space<vmem>>) target_semaphore(%arg16 : memref<!tpu.dma_semaphore, #tpu.memory_space<semaphore_mem>>)
    %dma_start3A_173 = arith.constant 19 : i32
    %dma_start3A_174 = arith.constant 9728 : i32
    %dma_start3A_175 = tpu.memref_slice %arg7[%dma_start3A_174] : memref<13312xi32, #tpu.memory_space<vmem>> -> memref<512xi32, #tpu.memory_space<vmem>>
    %dma_start3A_176 = tpu.memref_slice %arg2[%dma_start3A_173, %mul3A_2] : memref<26x16384xi32, #tpu.memory_space<hbm>> -> memref<1x512xi32, #tpu.memory_space<hbm>>
    %dma_start3A_177 = tpu.memref_squeeze %dma_start3A_176 : memref<1x512xi32, #tpu.memory_space<hbm>> -> memref<512xi32, #tpu.memory_space<hbm>>
    %dma_start3A_178 = arith.constant 9728 : i32
    %dma_start3A_179 = tpu.memref_slice %arg7[%dma_start3A_178] : memref<13312xi32, #tpu.memory_space<vmem>> -> memref<512xi32, #tpu.memory_space<vmem>>
    %dma_start3A_180 = tpu.memref_slice %arg2[%dma_start3A_173, %mul3A_2] : memref<26x16384xi32, #tpu.memory_space<hbm>> -> memref<1x512xi32, #tpu.memory_space<hbm>>
    %dma_start3A_181 = tpu.memref_squeeze %dma_start3A_180 : memref<1x512xi32, #tpu.memory_space<hbm>> -> memref<512xi32, #tpu.memory_space<hbm>>
    tpu.enqueue_dma source(%dma_start3A_181 : memref<512xi32, #tpu.memory_space<hbm>>) target(%dma_start3A_179 : memref<512xi32, #tpu.memory_space<vmem>>) target_semaphore(%arg16 : memref<!tpu.dma_semaphore, #tpu.memory_space<semaphore_mem>>)
    %dma_start3A_182 = arith.constant 20 : i32
    %dma_start3A_183 = arith.constant 10240 : i32
    %dma_start3A_184 = tpu.memref_slice %arg7[%dma_start3A_183] : memref<13312xi32, #tpu.memory_space<vmem>> -> memref<512xi32, #tpu.memory_space<vmem>>
    %dma_start3A_185 = tpu.memref_slice %arg2[%dma_start3A_182, %mul3A_2] : memref<26x16384xi32, #tpu.memory_space<hbm>> -> memref<1x512xi32, #tpu.memory_space<hbm>>
    %dma_start3A_186 = tpu.memref_squeeze %dma_start3A_185 : memref<1x512xi32, #tpu.memory_space<hbm>> -> memref<512xi32, #tpu.memory_space<hbm>>
    %dma_start3A_187 = arith.constant 10240 : i32
    %dma_start3A_188 = tpu.memref_slice %arg7[%dma_start3A_187] : memref<13312xi32, #tpu.memory_space<vmem>> -> memref<512xi32, #tpu.memory_space<vmem>>
    %dma_start3A_189 = tpu.memref_slice %arg2[%dma_start3A_182, %mul3A_2] : memref<26x16384xi32, #tpu.memory_space<hbm>> -> memref<1x512xi32, #tpu.memory_space<hbm>>
    %dma_start3A_190 = tpu.memref_squeeze %dma_start3A_189 : memref<1x512xi32, #tpu.memory_space<hbm>> -> memref<512xi32, #tpu.memory_space<hbm>>
    tpu.enqueue_dma source(%dma_start3A_190 : memref<512xi32, #tpu.memory_space<hbm>>) target(%dma_start3A_188 : memref<512xi32, #tpu.memory_space<vmem>>) target_semaphore(%arg17 : memref<!tpu.dma_semaphore, #tpu.memory_space<semaphore_mem>>)
    %dma_start3A_191 = arith.constant 21 : i32
    %dma_start3A_192 = arith.constant 10752 : i32
    %dma_start3A_193 = tpu.memref_slice %arg7[%dma_start3A_192] : memref<13312xi32, #tpu.memory_space<vmem>> -> memref<512xi32, #tpu.memory_space<vmem>>
    %dma_start3A_194 = tpu.memref_slice %arg2[%dma_start3A_191, %mul3A_2] : memref<26x16384xi32, #tpu.memory_space<hbm>> -> memref<1x512xi32, #tpu.memory_space<hbm>>
    %dma_start3A_195 = tpu.memref_squeeze %dma_start3A_194 : memref<1x512xi32, #tpu.memory_space<hbm>> -> memref<512xi32, #tpu.memory_space<hbm>>
    %dma_start3A_196 = arith.constant 10752 : i32
    %dma_start3A_197 = tpu.memref_slice %arg7[%dma_start3A_196] : memref<13312xi32, #tpu.memory_space<vmem>> -> memref<512xi32, #tpu.memory_space<vmem>>
    %dma_start3A_198 = tpu.memref_slice %arg2[%dma_start3A_191, %mul3A_2] : memref<26x16384xi32, #tpu.memory_space<hbm>> -> memref<1x512xi32, #tpu.memory_space<hbm>>
    %dma_start3A_199 = tpu.memref_squeeze %dma_start3A_198 : memref<1x512xi32, #tpu.memory_space<hbm>> -> memref<512xi32, #tpu.memory_space<hbm>>
    tpu.enqueue_dma source(%dma_start3A_199 : memref<512xi32, #tpu.memory_space<hbm>>) target(%dma_start3A_197 : memref<512xi32, #tpu.memory_space<vmem>>) target_semaphore(%arg17 : memref<!tpu.dma_semaphore, #tpu.memory_space<semaphore_mem>>)
    %dma_start3A_200 = arith.constant 22 : i32
    %dma_start3A_201 = arith.constant 11264 : i32
    %dma_start3A_202 = tpu.memref_slice %arg7[%dma_start3A_201] : memref<13312xi32, #tpu.memory_space<vmem>> -> memref<512xi32, #tpu.memory_space<vmem>>
    %dma_start3A_203 = tpu.memref_slice %arg2[%dma_start3A_200, %mul3A_2] : memref<26x16384xi32, #tpu.memory_space<hbm>> -> memref<1x512xi32, #tpu.memory_space<hbm>>
    %dma_start3A_204 = tpu.memref_squeeze %dma_start3A_203 : memref<1x512xi32, #tpu.memory_space<hbm>> -> memref<512xi32, #tpu.memory_space<hbm>>
    %dma_start3A_205 = arith.constant 11264 : i32
    %dma_start3A_206 = tpu.memref_slice %arg7[%dma_start3A_205] : memref<13312xi32, #tpu.memory_space<vmem>> -> memref<512xi32, #tpu.memory_space<vmem>>
    %dma_start3A_207 = tpu.memref_slice %arg2[%dma_start3A_200, %mul3A_2] : memref<26x16384xi32, #tpu.memory_space<hbm>> -> memref<1x512xi32, #tpu.memory_space<hbm>>
    %dma_start3A_208 = tpu.memref_squeeze %dma_start3A_207 : memref<1x512xi32, #tpu.memory_space<hbm>> -> memref<512xi32, #tpu.memory_space<hbm>>
    tpu.enqueue_dma source(%dma_start3A_208 : memref<512xi32, #tpu.memory_space<hbm>>) target(%dma_start3A_206 : memref<512xi32, #tpu.memory_space<vmem>>) target_semaphore(%arg17 : memref<!tpu.dma_semaphore, #tpu.memory_space<semaphore_mem>>)
    %dma_start3A_209 = arith.constant 23 : i32
    %dma_start3A_210 = arith.constant 11776 : i32
    %dma_start3A_211 = tpu.memref_slice %arg7[%dma_start3A_210] : memref<13312xi32, #tpu.memory_space<vmem>> -> memref<512xi32, #tpu.memory_space<vmem>>
    %dma_start3A_212 = tpu.memref_slice %arg2[%dma_start3A_209, %mul3A_2] : memref<26x16384xi32, #tpu.memory_space<hbm>> -> memref<1x512xi32, #tpu.memory_space<hbm>>
    %dma_start3A_213 = tpu.memref_squeeze %dma_start3A_212 : memref<1x512xi32, #tpu.memory_space<hbm>> -> memref<512xi32, #tpu.memory_space<hbm>>
    %dma_start3A_214 = arith.constant 11776 : i32
    %dma_start3A_215 = tpu.memref_slice %arg7[%dma_start3A_214] : memref<13312xi32, #tpu.memory_space<vmem>> -> memref<512xi32, #tpu.memory_space<vmem>>
    %dma_start3A_216 = tpu.memref_slice %arg2[%dma_start3A_209, %mul3A_2] : memref<26x16384xi32, #tpu.memory_space<hbm>> -> memref<1x512xi32, #tpu.memory_space<hbm>>
    %dma_start3A_217 = tpu.memref_squeeze %dma_start3A_216 : memref<1x512xi32, #tpu.memory_space<hbm>> -> memref<512xi32, #tpu.memory_space<hbm>>
    tpu.enqueue_dma source(%dma_start3A_217 : memref<512xi32, #tpu.memory_space<hbm>>) target(%dma_start3A_215 : memref<512xi32, #tpu.memory_space<vmem>>) target_semaphore(%arg17 : memref<!tpu.dma_semaphore, #tpu.memory_space<semaphore_mem>>)
    %dma_start3A_218 = arith.constant 24 : i32
    %dma_start3A_219 = arith.constant 12288 : i32
    %dma_start3A_220 = tpu.memref_slice %arg7[%dma_start3A_219] : memref<13312xi32, #tpu.memory_space<vmem>> -> memref<512xi32, #tpu.memory_space<vmem>>
    %dma_start3A_221 = tpu.memref_slice %arg2[%dma_start3A_218, %mul3A_2] : memref<26x16384xi32, #tpu.memory_space<hbm>> -> memref<1x512xi32, #tpu.memory_space<hbm>>
    %dma_start3A_222 = tpu.memref_squeeze %dma_start3A_221 : memref<1x512xi32, #tpu.memory_space<hbm>> -> memref<512xi32, #tpu.memory_space<hbm>>
    %dma_start3A_223 = arith.constant 12288 : i32
    %dma_start3A_224 = tpu.memref_slice %arg7[%dma_start3A_223] : memref<13312xi32, #tpu.memory_space<vmem>> -> memref<512xi32, #tpu.memory_space<vmem>>
    %dma_start3A_225 = tpu.memref_slice %arg2[%dma_start3A_218, %mul3A_2] : memref<26x16384xi32, #tpu.memory_space<hbm>> -> memref<1x512xi32, #tpu.memory_space<hbm>>
    %dma_start3A_226 = tpu.memref_squeeze %dma_start3A_225 : memref<1x512xi32, #tpu.memory_space<hbm>> -> memref<512xi32, #tpu.memory_space<hbm>>
    tpu.enqueue_dma source(%dma_start3A_226 : memref<512xi32, #tpu.memory_space<hbm>>) target(%dma_start3A_224 : memref<512xi32, #tpu.memory_space<vmem>>) target_semaphore(%arg17 : memref<!tpu.dma_semaphore, #tpu.memory_space<semaphore_mem>>)
    %dma_start3A_227 = arith.constant 25 : i32
    %dma_start3A_228 = arith.constant 12800 : i32
    %dma_start3A_229 = tpu.memref_slice %arg7[%dma_start3A_228] : memref<13312xi32, #tpu.memory_space<vmem>> -> memref<512xi32, #tpu.memory_space<vmem>>
    %dma_start3A_230 = tpu.memref_slice %arg2[%dma_start3A_227, %mul3A_2] : memref<26x16384xi32, #tpu.memory_space<hbm>> -> memref<1x512xi32, #tpu.memory_space<hbm>>
    %dma_start3A_231 = tpu.memref_squeeze %dma_start3A_230 : memref<1x512xi32, #tpu.memory_space<hbm>> -> memref<512xi32, #tpu.memory_space<hbm>>
    %dma_start3A_232 = arith.constant 12800 : i32
    %dma_start3A_233 = tpu.memref_slice %arg7[%dma_start3A_232] : memref<13312xi32, #tpu.memory_space<vmem>> -> memref<512xi32, #tpu.memory_space<vmem>>
    %dma_start3A_234 = tpu.memref_slice %arg2[%dma_start3A_227, %mul3A_2] : memref<26x16384xi32, #tpu.memory_space<hbm>> -> memref<1x512xi32, #tpu.memory_space<hbm>>
    %dma_start3A_235 = tpu.memref_squeeze %dma_start3A_234 : memref<1x512xi32, #tpu.memory_space<hbm>> -> memref<512xi32, #tpu.memory_space<hbm>>
    tpu.enqueue_dma source(%dma_start3A_235 : memref<512xi32, #tpu.memory_space<hbm>>) target(%dma_start3A_233 : memref<512xi32, #tpu.memory_space<vmem>>) target_semaphore(%arg17 : memref<!tpu.dma_semaphore, #tpu.memory_space<semaphore_mem>>)
    %broadcast_in_dim3A = arith.constant 2599935 : i32
    %broadcast_in_dim3A_236 = vector.broadcast %broadcast_in_dim3A : i32 to vector<16xi32>
    %dma_wait3A = arith.constant 0 : i32
    %dma_wait3A_237 = arith.constant 0 : i32
    %dma_wait3A_238 = tpu.memref_slice %arg7[%dma_wait3A_237] : memref<13312xi32, #tpu.memory_space<vmem>> -> memref<512xi32, #tpu.memory_space<vmem>>
    %dma_wait3A_239 = tpu.memref_slice %arg2[%dma_wait3A, %mul3A_2] : memref<26x16384xi32, #tpu.memory_space<hbm>> -> memref<1x512xi32, #tpu.memory_space<hbm>>
    %dma_wait3A_240 = tpu.memref_squeeze %dma_wait3A_239 : memref<1x512xi32, #tpu.memory_space<hbm>> -> memref<512xi32, #tpu.memory_space<hbm>>
    %dma_wait3A_241 = arith.constant 0 : i32
    %dma_wait3A_242 = tpu.memref_slice %arg7[%dma_wait3A_241] : memref<13312xi32, #tpu.memory_space<vmem>> -> memref<512xi32, #tpu.memory_space<vmem>>
    %dma_wait3A_243 = tpu.memref_slice %arg2[%dma_wait3A, %mul3A_2] : memref<26x16384xi32, #tpu.memory_space<hbm>> -> memref<1x512xi32, #tpu.memory_space<hbm>>
    %dma_wait3A_244 = tpu.memref_squeeze %dma_wait3A_243 : memref<1x512xi32, #tpu.memory_space<hbm>> -> memref<512xi32, #tpu.memory_space<hbm>>
    tpu.wait_dma2 semaphore(%arg14 : memref<!tpu.dma_semaphore, #tpu.memory_space<semaphore_mem>>) src(%dma_wait3A_244 : memref<512xi32, #tpu.memory_space<hbm>>) dst(%dma_wait3A_242 : memref<512xi32, #tpu.memory_space<vmem>>)
    %dma_wait3A_245 = arith.constant 1 : i32
    %dma_wait3A_246 = arith.constant 512 : i32
    %dma_wait3A_247 = tpu.memref_slice %arg7[%dma_wait3A_246] : memref<13312xi32, #tpu.memory_space<vmem>> -> memref<512xi32, #tpu.memory_space<vmem>>
    %dma_wait3A_248 = tpu.memref_slice %arg2[%dma_wait3A_245, %mul3A_2] : memref<26x16384xi32, #tpu.memory_space<hbm>> -> memref<1x512xi32, #tpu.memory_space<hbm>>
    %dma_wait3A_249 = tpu.memref_squeeze %dma_wait3A_248 : memref<1x512xi32, #tpu.memory_space<hbm>> -> memref<512xi32, #tpu.memory_space<hbm>>
    %dma_wait3A_250 = arith.constant 512 : i32
    %dma_wait3A_251 = tpu.memref_slice %arg7[%dma_wait3A_250] : memref<13312xi32, #tpu.memory_space<vmem>> -> memref<512xi32, #tpu.memory_space<vmem>>
    %dma_wait3A_252 = tpu.memref_slice %arg2[%dma_wait3A_245, %mul3A_2] : memref<26x16384xi32, #tpu.memory_space<hbm>> -> memref<1x512xi32, #tpu.memory_space<hbm>>
    %dma_wait3A_253 = tpu.memref_squeeze %dma_wait3A_252 : memref<1x512xi32, #tpu.memory_space<hbm>> -> memref<512xi32, #tpu.memory_space<hbm>>
    tpu.wait_dma2 semaphore(%arg14 : memref<!tpu.dma_semaphore, #tpu.memory_space<semaphore_mem>>) src(%dma_wait3A_253 : memref<512xi32, #tpu.memory_space<hbm>>) dst(%dma_wait3A_251 : memref<512xi32, #tpu.memory_space<vmem>>)
    %dma_wait3A_254 = arith.constant 2 : i32
    %dma_wait3A_255 = arith.constant 1024 : i32
    %dma_wait3A_256 = tpu.memref_slice %arg7[%dma_wait3A_255] : memref<13312xi32, #tpu.memory_space<vmem>> -> memref<512xi32, #tpu.memory_space<vmem>>
    %dma_wait3A_257 = tpu.memref_slice %arg2[%dma_wait3A_254, %mul3A_2] : memref<26x16384xi32, #tpu.memory_space<hbm>> -> memref<1x512xi32, #tpu.memory_space<hbm>>
    %dma_wait3A_258 = tpu.memref_squeeze %dma_wait3A_257 : memref<1x512xi32, #tpu.memory_space<hbm>> -> memref<512xi32, #tpu.memory_space<hbm>>
    %dma_wait3A_259 = arith.constant 1024 : i32
    %dma_wait3A_260 = tpu.memref_slice %arg7[%dma_wait3A_259] : memref<13312xi32, #tpu.memory_space<vmem>> -> memref<512xi32, #tpu.memory_space<vmem>>
    %dma_wait3A_261 = tpu.memref_slice %arg2[%dma_wait3A_254, %mul3A_2] : memref<26x16384xi32, #tpu.memory_space<hbm>> -> memref<1x512xi32, #tpu.memory_space<hbm>>
    %dma_wait3A_262 = tpu.memref_squeeze %dma_wait3A_261 : memref<1x512xi32, #tpu.memory_space<hbm>> -> memref<512xi32, #tpu.memory_space<hbm>>
    tpu.wait_dma2 semaphore(%arg14 : memref<!tpu.dma_semaphore, #tpu.memory_space<semaphore_mem>>) src(%dma_wait3A_262 : memref<512xi32, #tpu.memory_space<hbm>>) dst(%dma_wait3A_260 : memref<512xi32, #tpu.memory_space<vmem>>)
    %dma_wait3A_263 = arith.constant 3 : i32
    %dma_wait3A_264 = arith.constant 1536 : i32
    %dma_wait3A_265 = tpu.memref_slice %arg7[%dma_wait3A_264] : memref<13312xi32, #tpu.memory_space<vmem>> -> memref<512xi32, #tpu.memory_space<vmem>>
    %dma_wait3A_266 = tpu.memref_slice %arg2[%dma_wait3A_263, %mul3A_2] : memref<26x16384xi32, #tpu.memory_space<hbm>> -> memref<1x512xi32, #tpu.memory_space<hbm>>
    %dma_wait3A_267 = tpu.memref_squeeze %dma_wait3A_266 : memref<1x512xi32, #tpu.memory_space<hbm>> -> memref<512xi32, #tpu.memory_space<hbm>>
    %dma_wait3A_268 = arith.constant 1536 : i32
    %dma_wait3A_269 = tpu.memref_slice %arg7[%dma_wait3A_268] : memref<13312xi32, #tpu.memory_space<vmem>> -> memref<512xi32, #tpu.memory_space<vmem>>
    %dma_wait3A_270 = tpu.memref_slice %arg2[%dma_wait3A_263, %mul3A_2] : memref<26x16384xi32, #tpu.memory_space<hbm>> -> memref<1x512xi32, #tpu.memory_space<hbm>>
    %dma_wait3A_271 = tpu.memref_squeeze %dma_wait3A_270 : memref<1x512xi32, #tpu.memory_space<hbm>> -> memref<512xi32, #tpu.memory_space<hbm>>
    tpu.wait_dma2 semaphore(%arg14 : memref<!tpu.dma_semaphore, #tpu.memory_space<semaphore_mem>>) src(%dma_wait3A_271 : memref<512xi32, #tpu.memory_space<hbm>>) dst(%dma_wait3A_269 : memref<512xi32, #tpu.memory_space<vmem>>)
    %dma_wait3A_272 = arith.constant 4 : i32
    %dma_wait3A_273 = arith.constant 2048 : i32
    %dma_wait3A_274 = tpu.memref_slice %arg7[%dma_wait3A_273] : memref<13312xi32, #tpu.memory_space<vmem>> -> memref<512xi32, #tpu.memory_space<vmem>>
    %dma_wait3A_275 = tpu.memref_slice %arg2[%dma_wait3A_272, %mul3A_2] : memref<26x16384xi32, #tpu.memory_space<hbm>> -> memref<1x512xi32, #tpu.memory_space<hbm>>
    %dma_wait3A_276 = tpu.memref_squeeze %dma_wait3A_275 : memref<1x512xi32, #tpu.memory_space<hbm>> -> memref<512xi32, #tpu.memory_space<hbm>>
    %dma_wait3A_277 = arith.constant 2048 : i32
    %dma_wait3A_278 = tpu.memref_slice %arg7[%dma_wait3A_277] : memref<13312xi32, #tpu.memory_space<vmem>> -> memref<512xi32, #tpu.memory_space<vmem>>
    %dma_wait3A_279 = tpu.memref_slice %arg2[%dma_wait3A_272, %mul3A_2] : memref<26x16384xi32, #tpu.memory_space<hbm>> -> memref<1x512xi32, #tpu.memory_space<hbm>>
    %dma_wait3A_280 = tpu.memref_squeeze %dma_wait3A_279 : memref<1x512xi32, #tpu.memory_space<hbm>> -> memref<512xi32, #tpu.memory_space<hbm>>
    tpu.wait_dma2 semaphore(%arg14 : memref<!tpu.dma_semaphore, #tpu.memory_space<semaphore_mem>>) src(%dma_wait3A_280 : memref<512xi32, #tpu.memory_space<hbm>>) dst(%dma_wait3A_278 : memref<512xi32, #tpu.memory_space<vmem>>)
    %dma_wait3A_281 = arith.constant 5 : i32
    %dma_wait3A_282 = arith.constant 2560 : i32
    %dma_wait3A_283 = tpu.memref_slice %arg7[%dma_wait3A_282] : memref<13312xi32, #tpu.memory_space<vmem>> -> memref<512xi32, #tpu.memory_space<vmem>>
    %dma_wait3A_284 = tpu.memref_slice %arg2[%dma_wait3A_281, %mul3A_2] : memref<26x16384xi32, #tpu.memory_space<hbm>> -> memref<1x512xi32, #tpu.memory_space<hbm>>
    %dma_wait3A_285 = tpu.memref_squeeze %dma_wait3A_284 : memref<1x512xi32, #tpu.memory_space<hbm>> -> memref<512xi32, #tpu.memory_space<hbm>>
    %dma_wait3A_286 = arith.constant 2560 : i32
    %dma_wait3A_287 = tpu.memref_slice %arg7[%dma_wait3A_286] : memref<13312xi32, #tpu.memory_space<vmem>> -> memref<512xi32, #tpu.memory_space<vmem>>
    %dma_wait3A_288 = tpu.memref_slice %arg2[%dma_wait3A_281, %mul3A_2] : memref<26x16384xi32, #tpu.memory_space<hbm>> -> memref<1x512xi32, #tpu.memory_space<hbm>>
    %dma_wait3A_289 = tpu.memref_squeeze %dma_wait3A_288 : memref<1x512xi32, #tpu.memory_space<hbm>> -> memref<512xi32, #tpu.memory_space<hbm>>
    tpu.wait_dma2 semaphore(%arg14 : memref<!tpu.dma_semaphore, #tpu.memory_space<semaphore_mem>>) src(%dma_wait3A_289 : memref<512xi32, #tpu.memory_space<hbm>>) dst(%dma_wait3A_287 : memref<512xi32, #tpu.memory_space<vmem>>)
    %dma_wait3A_290 = arith.constant 6 : i32
    %dma_wait3A_291 = arith.constant 3072 : i32
    %dma_wait3A_292 = tpu.memref_slice %arg7[%dma_wait3A_291] : memref<13312xi32, #tpu.memory_space<vmem>> -> memref<512xi32, #tpu.memory_space<vmem>>
    %dma_wait3A_293 = tpu.memref_slice %arg2[%dma_wait3A_290, %mul3A_2] : memref<26x16384xi32, #tpu.memory_space<hbm>> -> memref<1x512xi32, #tpu.memory_space<hbm>>
    %dma_wait3A_294 = tpu.memref_squeeze %dma_wait3A_293 : memref<1x512xi32, #tpu.memory_space<hbm>> -> memref<512xi32, #tpu.memory_space<hbm>>
    %dma_wait3A_295 = arith.constant 3072 : i32
    %dma_wait3A_296 = tpu.memref_slice %arg7[%dma_wait3A_295] : memref<13312xi32, #tpu.memory_space<vmem>> -> memref<512xi32, #tpu.memory_space<vmem>>
    %dma_wait3A_297 = tpu.memref_slice %arg2[%dma_wait3A_290, %mul3A_2] : memref<26x16384xi32, #tpu.memory_space<hbm>> -> memref<1x512xi32, #tpu.memory_space<hbm>>
    %dma_wait3A_298 = tpu.memref_squeeze %dma_wait3A_297 : memref<1x512xi32, #tpu.memory_space<hbm>> -> memref<512xi32, #tpu.memory_space<hbm>>
    tpu.wait_dma2 semaphore(%arg14 : memref<!tpu.dma_semaphore, #tpu.memory_space<semaphore_mem>>) src(%dma_wait3A_298 : memref<512xi32, #tpu.memory_space<hbm>>) dst(%dma_wait3A_296 : memref<512xi32, #tpu.memory_space<vmem>>)
    %scan3A = arith.constant 0 : i32
    %scan3A_299 = arith.constant 0 : i32
    %scan3A_300 = arith.constant 224 : i32
    %scan3A_301 = arith.addi %scan3A_299, %scan3A_300 : i32
    %scan3A_302 = arith.constant 1 : i32
    scf.for %scan3A_574 = %scan3A_299 to %scan3A_301 step %scan3A_302  : i32 {
      %jit3A = arith.constant 32 : i32
      %div3A = arith.divsi %scan3A_574, %jit3A : i32
      %sign3A = arith.constant 0 : i32
      %sign3A_575 = arith.cmpi sgt, %scan3A_574, %sign3A : i32
      %sign3A_576 = arith.extui %sign3A_575 : i1 to i32
      %sign3A_577 = arith.constant 0 : i32
      %sign3A_578 = arith.cmpi slt, %scan3A_574, %sign3A_577 : i32
      %sign3A_579 = arith.extui %sign3A_578 : i1 to i32
      %sign3A_580 = arith.subi %sign3A_576, %sign3A_579 : i32
      %sign3A_581 = arith.constant 0 : i32
      %sign3A_582 = arith.cmpi sgt, %jit3A, %sign3A_581 : i32
      %sign3A_583 = arith.extui %sign3A_582 : i1 to i32
      %sign3A_584 = arith.constant 0 : i32
      %sign3A_585 = arith.cmpi slt, %jit3A, %sign3A_584 : i32
      %sign3A_586 = arith.extui %sign3A_585 : i1 to i32
      %sign3A_587 = arith.subi %sign3A_583, %sign3A_586 : i32
      %ne3A = arith.cmpi ne, %sign3A_580, %sign3A_587 : i32
      %rem3A = arith.remsi %scan3A_574, %jit3A : i32
      %ne3A_588 = arith.constant 0 : i32
      %ne3A_589 = arith.cmpi ne, %rem3A, %ne3A_588 : i32
      %and3A = arith.andi %ne3A, %ne3A_589 : i1
      %sub3A = arith.constant 1 : i32
      %sub3A_590 = arith.subi %div3A, %sub3A : i32
      %select_n3A = arith.select %and3A, %sub3A_590, %div3A : i32
      %add3A_591 = arith.constant 0 : i32
      %add3A_592 = arith.addi %add3A_591, %select_n3A : i32
      %mul3A_593 = arith.constant 512 : i32
      %mul3A_594 = arith.muli %add3A_592, %mul3A_593 : i32
      %jit3A_595 = arith.constant 32 : i32
      %eq3A = arith.constant 0 : i32
      %eq3A_596 = arith.cmpi eq, %jit3A_595, %eq3A : i32
      %jit3A_597 = arith.constant 1 : i32
      %select_n3A_598 = arith.select %eq3A_596, %jit3A_597, %jit3A_595 : i32
      %rem3A_599 = arith.remsi %scan3A_574, %select_n3A_598 : i32
      %ne3A_600 = arith.constant 0 : i32
      %ne3A_601 = arith.cmpi ne, %rem3A_599, %ne3A_600 : i32
      %lt3A = arith.constant 0 : i32
      %lt3A_602 = arith.cmpi slt, %rem3A_599, %lt3A : i32
      %lt3A_603 = arith.constant 0 : i32
      %lt3A_604 = arith.cmpi slt, %select_n3A_598, %lt3A_603 : i32
      %ne3A_605 = arith.xori %lt3A_602, %lt3A_604 : i1
      %and3A_606 = arith.andi %ne3A_605, %ne3A_601 : i1
      %add3A_607 = arith.addi %rem3A_599, %select_n3A_598 : i32
      %select_n3A_608 = arith.select %and3A_606, %add3A_607, %rem3A_599 : i32
      %mul3A_609 = arith.constant 16 : i32
      %mul3A_610 = arith.muli %select_n3A_608, %mul3A_609 : i32
      %add3A_611 = arith.addi %mul3A_594, %mul3A_610 : i32
      %get3A_612 = arith.index_cast %add3A_611 : i32 to index
      %get3A_613 = tpu.vector_load %arg7[%get3A_612] {strides = array<i32>} : memref<13312xi32, #tpu.memory_space<vmem>>, vector<16xi32>,
      %mul3A_614 = arith.constant 100000 : i32
      %mul3A_615 = arith.muli %add3A_592, %mul3A_614 : i32
      %add3A_616 = vector.broadcast %mul3A_615 : i32 to vector<16xi32>
      %add3A_617 = arith.addi %get3A_613, %add3A_616 : vector<16xi32>
      %min3A = arith.minsi %add3A_617, %broadcast_in_dim3A_236 : vector<16xi32>
      %swap3A = arith.index_cast %add3A_611 : i32 to index
      %swap3A_618 = tpu.vector_load %arg7[%swap3A] {strides = array<i32>} : memref<13312xi32, #tpu.memory_space<vmem>>, vector<16xi32>,
      tpu.vector_store %arg7[%swap3A], %min3A {strides = array<i32>} : memref<13312xi32, #tpu.memory_space<vmem>>, vector<16xi32>,
    }
    %scan3A_303 = arith.constant 224 : i32
    %dma_start3A_304 = arith.constant 0 : i32
    %dma_start3A_305 = tpu.memref_slice %arg8[%dma_start3A_304] : memref<13312xf32, #tpu.memory_space<vmem>> -> memref<3584xf32, #tpu.memory_space<vmem>>
    %dma_start3A_306 = arith.constant 0 : i32
    %dma_start3A_307 = tpu.memref_slice %arg7[%dma_start3A_306] : memref<13312xi32, #tpu.memory_space<vmem>> -> memref<3584xi32, #tpu.memory_space<vmem>>
    %dma_start3A_308 = arith.constant 0 : i32
    %dma_start3A_309 = tpu.memref_slice %arg3[%dma_start3A_308] : memref<2599936xf32, #tpu.memory_space<hbm>> -> memref<2599936xf32, #tpu.memory_space<hbm>>
    tpu.enqueue_indirect_dma source(%dma_start3A_309 : memref<2599936xf32, #tpu.memory_space<hbm>>) target(%dma_start3A_305 : memref<3584xf32, #tpu.memory_space<vmem>>) offsets(%dma_start3A_307 : memref<3584xi32, #tpu.memory_space<vmem>>) semaphore(%arg18 : memref<!tpu.dma_semaphore, #tpu.memory_space<semaphore_mem>>)
    "tpu.region"() ({
      %run_scoped3A = tpu.sem_alloc : memref<!tpu.dma_semaphore, #tpu.memory_space<semaphore_mem>>
      tpu.enqueue_dma source(%arg4 : memref<64xf32, #tpu.memory_space<hbm>>) target(%arg10 : memref<64xf32, #tpu.memory_space<vmem>>) target_semaphore(%run_scoped3A : memref<!tpu.dma_semaphore, #tpu.memory_space<semaphore_mem>>)
      tpu.wait_dma2 semaphore(%run_scoped3A : memref<!tpu.dma_semaphore, #tpu.memory_space<semaphore_mem>>) src(%arg4 : memref<64xf32, #tpu.memory_space<hbm>>) dst(%arg10 : memref<64xf32, #tpu.memory_space<vmem>>)
      tpu.yield
    }) : () -> ()
    "tpu.region"() ({
      %run_scoped3A = tpu.sem_alloc : memref<!tpu.dma_semaphore, #tpu.memory_space<semaphore_mem>>
      tpu.enqueue_dma source(%arg5 : memref<16xf32, #tpu.memory_space<hbm>>) target(%arg13 : memref<16xf32, #tpu.memory_space<vmem>>) target_semaphore(%run_scoped3A : memref<!tpu.dma_semaphore, #tpu.memory_space<semaphore_mem>>)
      tpu.wait_dma2 semaphore(%run_scoped3A : memref<!tpu.dma_semaphore, #tpu.memory_space<semaphore_mem>>) src(%arg5 : memref<16xf32, #tpu.memory_space<hbm>>) dst(%arg13 : memref<16xf32, #tpu.memory_space<vmem>>)
      tpu.yield
    }) : () -> ()
    %dma_wait3A_310 = arith.constant 7 : i32
    %dma_wait3A_311 = arith.constant 3584 : i32
    %dma_wait3A_312 = tpu.memref_slice %arg7[%dma_wait3A_311] : memref<13312xi32, #tpu.memory_space<vmem>> -> memref<512xi32, #tpu.memory_space<vmem>>
    %dma_wait3A_313 = tpu.memref_slice %arg2[%dma_wait3A_310, %mul3A_2] : memref<26x16384xi32, #tpu.memory_space<hbm>> -> memref<1x512xi32, #tpu.memory_space<hbm>>
    %dma_wait3A_314 = tpu.memref_squeeze %dma_wait3A_313 : memref<1x512xi32, #tpu.memory_space<hbm>> -> memref<512xi32, #tpu.memory_space<hbm>>
    %dma_wait3A_315 = arith.constant 3584 : i32
    %dma_wait3A_316 = tpu.memref_slice %arg7[%dma_wait3A_315] : memref<13312xi32, #tpu.memory_space<vmem>> -> memref<512xi32, #tpu.memory_space<vmem>>
    %dma_wait3A_317 = tpu.memref_slice %arg2[%dma_wait3A_310, %mul3A_2] : memref<26x16384xi32, #tpu.memory_space<hbm>> -> memref<1x512xi32, #tpu.memory_space<hbm>>
    %dma_wait3A_318 = tpu.memref_squeeze %dma_wait3A_317 : memref<1x512xi32, #tpu.memory_space<hbm>> -> memref<512xi32, #tpu.memory_space<hbm>>
    tpu.wait_dma2 semaphore(%arg15 : memref<!tpu.dma_semaphore, #tpu.memory_space<semaphore_mem>>) src(%dma_wait3A_318 : memref<512xi32, #tpu.memory_space<hbm>>) dst(%dma_wait3A_316 : memref<512xi32, #tpu.memory_space<vmem>>)
    %dma_wait3A_319 = arith.constant 8 : i32
    %dma_wait3A_320 = arith.constant 4096 : i32
    %dma_wait3A_321 = tpu.memref_slice %arg7[%dma_wait3A_320] : memref<13312xi32, #tpu.memory_space<vmem>> -> memref<512xi32, #tpu.memory_space<vmem>>
    %dma_wait3A_322 = tpu.memref_slice %arg2[%dma_wait3A_319, %mul3A_2] : memref<26x16384xi32, #tpu.memory_space<hbm>> -> memref<1x512xi32, #tpu.memory_space<hbm>>
    %dma_wait3A_323 = tpu.memref_squeeze %dma_wait3A_322 : memref<1x512xi32, #tpu.memory_space<hbm>> -> memref<512xi32, #tpu.memory_space<hbm>>
    %dma_wait3A_324 = arith.constant 4096 : i32
    %dma_wait3A_325 = tpu.memref_slice %arg7[%dma_wait3A_324] : memref<13312xi32, #tpu.memory_space<vmem>> -> memref<512xi32, #tpu.memory_space<vmem>>
    %dma_wait3A_326 = tpu.memref_slice %arg2[%dma_wait3A_319, %mul3A_2] : memref<26x16384xi32, #tpu.memory_space<hbm>> -> memref<1x512xi32, #tpu.memory_space<hbm>>
    %dma_wait3A_327 = tpu.memref_squeeze %dma_wait3A_326 : memref<1x512xi32, #tpu.memory_space<hbm>> -> memref<512xi32, #tpu.memory_space<hbm>>
    tpu.wait_dma2 semaphore(%arg15 : memref<!tpu.dma_semaphore, #tpu.memory_space<semaphore_mem>>) src(%dma_wait3A_327 : memref<512xi32, #tpu.memory_space<hbm>>) dst(%dma_wait3A_325 : memref<512xi32, #tpu.memory_space<vmem>>)
    %dma_wait3A_328 = arith.constant 9 : i32
    %dma_wait3A_329 = arith.constant 4608 : i32
    %dma_wait3A_330 = tpu.memref_slice %arg7[%dma_wait3A_329] : memref<13312xi32, #tpu.memory_space<vmem>> -> memref<512xi32, #tpu.memory_space<vmem>>
    %dma_wait3A_331 = tpu.memref_slice %arg2[%dma_wait3A_328, %mul3A_2] : memref<26x16384xi32, #tpu.memory_space<hbm>> -> memref<1x512xi32, #tpu.memory_space<hbm>>
    %dma_wait3A_332 = tpu.memref_squeeze %dma_wait3A_331 : memref<1x512xi32, #tpu.memory_space<hbm>> -> memref<512xi32, #tpu.memory_space<hbm>>
    %dma_wait3A_333 = arith.constant 4608 : i32
    %dma_wait3A_334 = tpu.memref_slice %arg7[%dma_wait3A_333] : memref<13312xi32, #tpu.memory_space<vmem>> -> memref<512xi32, #tpu.memory_space<vmem>>
    %dma_wait3A_335 = tpu.memref_slice %arg2[%dma_wait3A_328, %mul3A_2] : memref<26x16384xi32, #tpu.memory_space<hbm>> -> memref<1x512xi32, #tpu.memory_space<hbm>>
    %dma_wait3A_336 = tpu.memref_squeeze %dma_wait3A_335 : memref<1x512xi32, #tpu.memory_space<hbm>> -> memref<512xi32, #tpu.memory_space<hbm>>
    tpu.wait_dma2 semaphore(%arg15 : memref<!tpu.dma_semaphore, #tpu.memory_space<semaphore_mem>>) src(%dma_wait3A_336 : memref<512xi32, #tpu.memory_space<hbm>>) dst(%dma_wait3A_334 : memref<512xi32, #tpu.memory_space<vmem>>)
    %dma_wait3A_337 = arith.constant 10 : i32
    %dma_wait3A_338 = arith.constant 5120 : i32
    %dma_wait3A_339 = tpu.memref_slice %arg7[%dma_wait3A_338] : memref<13312xi32, #tpu.memory_space<vmem>> -> memref<512xi32, #tpu.memory_space<vmem>>
    %dma_wait3A_340 = tpu.memref_slice %arg2[%dma_wait3A_337, %mul3A_2] : memref<26x16384xi32, #tpu.memory_space<hbm>> -> memref<1x512xi32, #tpu.memory_space<hbm>>
    %dma_wait3A_341 = tpu.memref_squeeze %dma_wait3A_340 : memref<1x512xi32, #tpu.memory_space<hbm>> -> memref<512xi32, #tpu.memory_space<hbm>>
    %dma_wait3A_342 = arith.constant 5120 : i32
    %dma_wait3A_343 = tpu.memref_slice %arg7[%dma_wait3A_342] : memref<13312xi32, #tpu.memory_space<vmem>> -> memref<512xi32, #tpu.memory_space<vmem>>
    %dma_wait3A_344 = tpu.memref_slice %arg2[%dma_wait3A_337, %mul3A_2] : memref<26x16384xi32, #tpu.memory_space<hbm>> -> memref<1x512xi32, #tpu.memory_space<hbm>>
    %dma_wait3A_345 = tpu.memref_squeeze %dma_wait3A_344 : memref<1x512xi32, #tpu.memory_space<hbm>> -> memref<512xi32, #tpu.memory_space<hbm>>
    tpu.wait_dma2 semaphore(%arg15 : memref<!tpu.dma_semaphore, #tpu.memory_space<semaphore_mem>>) src(%dma_wait3A_345 : memref<512xi32, #tpu.memory_space<hbm>>) dst(%dma_wait3A_343 : memref<512xi32, #tpu.memory_space<vmem>>)
    %dma_wait3A_346 = arith.constant 11 : i32
    %dma_wait3A_347 = arith.constant 5632 : i32
    %dma_wait3A_348 = tpu.memref_slice %arg7[%dma_wait3A_347] : memref<13312xi32, #tpu.memory_space<vmem>> -> memref<512xi32, #tpu.memory_space<vmem>>
    %dma_wait3A_349 = tpu.memref_slice %arg2[%dma_wait3A_346, %mul3A_2] : memref<26x16384xi32, #tpu.memory_space<hbm>> -> memref<1x512xi32, #tpu.memory_space<hbm>>
    %dma_wait3A_350 = tpu.memref_squeeze %dma_wait3A_349 : memref<1x512xi32, #tpu.memory_space<hbm>> -> memref<512xi32, #tpu.memory_space<hbm>>
    %dma_wait3A_351 = arith.constant 5632 : i32
    %dma_wait3A_352 = tpu.memref_slice %arg7[%dma_wait3A_351] : memref<13312xi32, #tpu.memory_space<vmem>> -> memref<512xi32, #tpu.memory_space<vmem>>
    %dma_wait3A_353 = tpu.memref_slice %arg2[%dma_wait3A_346, %mul3A_2] : memref<26x16384xi32, #tpu.memory_space<hbm>> -> memref<1x512xi32, #tpu.memory_space<hbm>>
    %dma_wait3A_354 = tpu.memref_squeeze %dma_wait3A_353 : memref<1x512xi32, #tpu.memory_space<hbm>> -> memref<512xi32, #tpu.memory_space<hbm>>
    tpu.wait_dma2 semaphore(%arg15 : memref<!tpu.dma_semaphore, #tpu.memory_space<semaphore_mem>>) src(%dma_wait3A_354 : memref<512xi32, #tpu.memory_space<hbm>>) dst(%dma_wait3A_352 : memref<512xi32, #tpu.memory_space<vmem>>)
    %dma_wait3A_355 = arith.constant 12 : i32
    %dma_wait3A_356 = arith.constant 6144 : i32
    %dma_wait3A_357 = tpu.memref_slice %arg7[%dma_wait3A_356] : memref<13312xi32, #tpu.memory_space<vmem>> -> memref<512xi32, #tpu.memory_space<vmem>>
    %dma_wait3A_358 = tpu.memref_slice %arg2[%dma_wait3A_355, %mul3A_2] : memref<26x16384xi32, #tpu.memory_space<hbm>> -> memref<1x512xi32, #tpu.memory_space<hbm>>
    %dma_wait3A_359 = tpu.memref_squeeze %dma_wait3A_358 : memref<1x512xi32, #tpu.memory_space<hbm>> -> memref<512xi32, #tpu.memory_space<hbm>>
    %dma_wait3A_360 = arith.constant 6144 : i32
    %dma_wait3A_361 = tpu.memref_slice %arg7[%dma_wait3A_360] : memref<13312xi32, #tpu.memory_space<vmem>> -> memref<512xi32, #tpu.memory_space<vmem>>
    %dma_wait3A_362 = tpu.memref_slice %arg2[%dma_wait3A_355, %mul3A_2] : memref<26x16384xi32, #tpu.memory_space<hbm>> -> memref<1x512xi32, #tpu.memory_space<hbm>>
    %dma_wait3A_363 = tpu.memref_squeeze %dma_wait3A_362 : memref<1x512xi32, #tpu.memory_space<hbm>> -> memref<512xi32, #tpu.memory_space<hbm>>
    tpu.wait_dma2 semaphore(%arg15 : memref<!tpu.dma_semaphore, #tpu.memory_space<semaphore_mem>>) src(%dma_wait3A_363 : memref<512xi32, #tpu.memory_space<hbm>>) dst(%dma_wait3A_361 : memref<512xi32, #tpu.memory_space<vmem>>)
    %scan3A_364 = arith.constant 0 : i32
    %scan3A_365 = arith.constant 0 : i32
    %scan3A_366 = arith.constant 192 : i32
    %scan3A_367 = arith.addi %scan3A_365, %scan3A_366 : i32
    %scan3A_368 = arith.constant 1 : i32
    scf.for %scan3A_574 = %scan3A_365 to %scan3A_367 step %scan3A_368  : i32 {
      %jit3A = arith.constant 32 : i32
      %div3A = arith.divsi %scan3A_574, %jit3A : i32
      %sign3A = arith.constant 0 : i32
      %sign3A_575 = arith.cmpi sgt, %scan3A_574, %sign3A : i32
      %sign3A_576 = arith.extui %sign3A_575 : i1 to i32
      %sign3A_577 = arith.constant 0 : i32
      %sign3A_578 = arith.cmpi slt, %scan3A_574, %sign3A_577 : i32
      %sign3A_579 = arith.extui %sign3A_578 : i1 to i32
      %sign3A_580 = arith.subi %sign3A_576, %sign3A_579 : i32
      %sign3A_581 = arith.constant 0 : i32
      %sign3A_582 = arith.cmpi sgt, %jit3A, %sign3A_581 : i32
      %sign3A_583 = arith.extui %sign3A_582 : i1 to i32
      %sign3A_584 = arith.constant 0 : i32
      %sign3A_585 = arith.cmpi slt, %jit3A, %sign3A_584 : i32
      %sign3A_586 = arith.extui %sign3A_585 : i1 to i32
      %sign3A_587 = arith.subi %sign3A_583, %sign3A_586 : i32
      %ne3A = arith.cmpi ne, %sign3A_580, %sign3A_587 : i32
      %rem3A = arith.remsi %scan3A_574, %jit3A : i32
      %ne3A_588 = arith.constant 0 : i32
      %ne3A_589 = arith.cmpi ne, %rem3A, %ne3A_588 : i32
      %and3A = arith.andi %ne3A, %ne3A_589 : i1
      %sub3A = arith.constant 1 : i32
      %sub3A_590 = arith.subi %div3A, %sub3A : i32
      %select_n3A = arith.select %and3A, %sub3A_590, %div3A : i32
      %add3A_591 = arith.constant 7 : i32
      %add3A_592 = arith.addi %add3A_591, %select_n3A : i32
      %mul3A_593 = arith.constant 512 : i32
      %mul3A_594 = arith.muli %add3A_592, %mul3A_593 : i32
      %jit3A_595 = arith.constant 32 : i32
      %eq3A = arith.constant 0 : i32
      %eq3A_596 = arith.cmpi eq, %jit3A_595, %eq3A : i32
      %jit3A_597 = arith.constant 1 : i32
      %select_n3A_598 = arith.select %eq3A_596, %jit3A_597, %jit3A_595 : i32
      %rem3A_599 = arith.remsi %scan3A_574, %select_n3A_598 : i32
      %ne3A_600 = arith.constant 0 : i32
      %ne3A_601 = arith.cmpi ne, %rem3A_599, %ne3A_600 : i32
      %lt3A = arith.constant 0 : i32
      %lt3A_602 = arith.cmpi slt, %rem3A_599, %lt3A : i32
      %lt3A_603 = arith.constant 0 : i32
      %lt3A_604 = arith.cmpi slt, %select_n3A_598, %lt3A_603 : i32
      %ne3A_605 = arith.xori %lt3A_602, %lt3A_604 : i1
      %and3A_606 = arith.andi %ne3A_605, %ne3A_601 : i1
      %add3A_607 = arith.addi %rem3A_599, %select_n3A_598 : i32
      %select_n3A_608 = arith.select %and3A_606, %add3A_607, %rem3A_599 : i32
      %mul3A_609 = arith.constant 16 : i32
      %mul3A_610 = arith.muli %select_n3A_608, %mul3A_609 : i32
      %add3A_611 = arith.addi %mul3A_594, %mul3A_610 : i32
      %get3A_612 = arith.index_cast %add3A_611 : i32 to index
      %get3A_613 = tpu.vector_load %arg7[%get3A_612] {strides = array<i32>} : memref<13312xi32, #tpu.memory_space<vmem>>, vector<16xi32>,
      %mul3A_614 = arith.constant 100000 : i32
      %mul3A_615 = arith.muli %add3A_592, %mul3A_614 : i32
      %add3A_616 = vector.broadcast %mul3A_615 : i32 to vector<16xi32>
      %add3A_617 = arith.addi %get3A_613, %add3A_616 : vector<16xi32>
      %min3A = arith.minsi %add3A_617, %broadcast_in_dim3A_236 : vector<16xi32>
      %swap3A = arith.index_cast %add3A_611 : i32 to index
      %swap3A_618 = tpu.vector_load %arg7[%swap3A] {strides = array<i32>} : memref<13312xi32, #tpu.memory_space<vmem>>, vector<16xi32>,
      tpu.vector_store %arg7[%swap3A], %min3A {strides = array<i32>} : memref<13312xi32, #tpu.memory_space<vmem>>, vector<16xi32>,
    }
    %scan3A_369 = arith.constant 192 : i32
    %dma_start3A_370 = arith.constant 3584 : i32
    %dma_start3A_371 = tpu.memref_slice %arg8[%dma_start3A_370] : memref<13312xf32, #tpu.memory_space<vmem>> -> memref<3072xf32, #tpu.memory_space<vmem>>
    %dma_start3A_372 = arith.constant 3584 : i32
    %dma_start3A_373 = tpu.memref_slice %arg7[%dma_start3A_372] : memref<13312xi32, #tpu.memory_space<vmem>> -> memref<3072xi32, #tpu.memory_space<vmem>>
    %dma_start3A_374 = arith.constant 0 : i32
    %dma_start3A_375 = tpu.memref_slice %arg3[%dma_start3A_374] : memref<2599936xf32, #tpu.memory_space<hbm>> -> memref<2599936xf32, #tpu.memory_space<hbm>>
    tpu.enqueue_indirect_dma source(%dma_start3A_375 : memref<2599936xf32, #tpu.memory_space<hbm>>) target(%dma_start3A_371 : memref<3072xf32, #tpu.memory_space<vmem>>) offsets(%dma_start3A_373 : memref<3072xi32, #tpu.memory_space<vmem>>) semaphore(%arg19 : memref<!tpu.dma_semaphore, #tpu.memory_space<semaphore_mem>>)
    %dma_wait3A_376 = arith.constant 13 : i32
    %dma_wait3A_377 = arith.constant 6656 : i32
    %dma_wait3A_378 = tpu.memref_slice %arg7[%dma_wait3A_377] : memref<13312xi32, #tpu.memory_space<vmem>> -> memref<512xi32, #tpu.memory_space<vmem>>
    %dma_wait3A_379 = tpu.memref_slice %arg2[%dma_wait3A_376, %mul3A_2] : memref<26x16384xi32, #tpu.memory_space<hbm>> -> memref<1x512xi32, #tpu.memory_space<hbm>>
    %dma_wait3A_380 = tpu.memref_squeeze %dma_wait3A_379 : memref<1x512xi32, #tpu.memory_space<hbm>> -> memref<512xi32, #tpu.memory_space<hbm>>
    %dma_wait3A_381 = arith.constant 6656 : i32
    %dma_wait3A_382 = tpu.memref_slice %arg7[%dma_wait3A_381] : memref<13312xi32, #tpu.memory_space<vmem>> -> memref<512xi32, #tpu.memory_space<vmem>>
    %dma_wait3A_383 = tpu.memref_slice %arg2[%dma_wait3A_376, %mul3A_2] : memref<26x16384xi32, #tpu.memory_space<hbm>> -> memref<1x512xi32, #tpu.memory_space<hbm>>
    %dma_wait3A_384 = tpu.memref_squeeze %dma_wait3A_383 : memref<1x512xi32, #tpu.memory_space<hbm>> -> memref<512xi32, #tpu.memory_space<hbm>>
    tpu.wait_dma2 semaphore(%arg16 : memref<!tpu.dma_semaphore, #tpu.memory_space<semaphore_mem>>) src(%dma_wait3A_384 : memref<512xi32, #tpu.memory_space<hbm>>) dst(%dma_wait3A_382 : memref<512xi32, #tpu.memory_space<vmem>>)
    %dma_wait3A_385 = arith.constant 14 : i32
    %dma_wait3A_386 = arith.constant 7168 : i32
    %dma_wait3A_387 = tpu.memref_slice %arg7[%dma_wait3A_386] : memref<13312xi32, #tpu.memory_space<vmem>> -> memref<512xi32, #tpu.memory_space<vmem>>
    %dma_wait3A_388 = tpu.memref_slice %arg2[%dma_wait3A_385, %mul3A_2] : memref<26x16384xi32, #tpu.memory_space<hbm>> -> memref<1x512xi32, #tpu.memory_space<hbm>>
    %dma_wait3A_389 = tpu.memref_squeeze %dma_wait3A_388 : memref<1x512xi32, #tpu.memory_space<hbm>> -> memref<512xi32, #tpu.memory_space<hbm>>
    %dma_wait3A_390 = arith.constant 7168 : i32
    %dma_wait3A_391 = tpu.memref_slice %arg7[%dma_wait3A_390] : memref<13312xi32, #tpu.memory_space<vmem>> -> memref<512xi32, #tpu.memory_space<vmem>>
    %dma_wait3A_392 = tpu.memref_slice %arg2[%dma_wait3A_385, %mul3A_2] : memref<26x16384xi32, #tpu.memory_space<hbm>> -> memref<1x512xi32, #tpu.memory_space<hbm>>
    %dma_wait3A_393 = tpu.memref_squeeze %dma_wait3A_392 : memref<1x512xi32, #tpu.memory_space<hbm>> -> memref<512xi32, #tpu.memory_space<hbm>>
    tpu.wait_dma2 semaphore(%arg16 : memref<!tpu.dma_semaphore, #tpu.memory_space<semaphore_mem>>) src(%dma_wait3A_393 : memref<512xi32, #tpu.memory_space<hbm>>) dst(%dma_wait3A_391 : memref<512xi32, #tpu.memory_space<vmem>>)
    %dma_wait3A_394 = arith.constant 15 : i32
    %dma_wait3A_395 = arith.constant 7680 : i32
    %dma_wait3A_396 = tpu.memref_slice %arg7[%dma_wait3A_395] : memref<13312xi32, #tpu.memory_space<vmem>> -> memref<512xi32, #tpu.memory_space<vmem>>
    %dma_wait3A_397 = tpu.memref_slice %arg2[%dma_wait3A_394, %mul3A_2] : memref<26x16384xi32, #tpu.memory_space<hbm>> -> memref<1x512xi32, #tpu.memory_space<hbm>>
    %dma_wait3A_398 = tpu.memref_squeeze %dma_wait3A_397 : memref<1x512xi32, #tpu.memory_space<hbm>> -> memref<512xi32, #tpu.memory_space<hbm>>
    %dma_wait3A_399 = arith.constant 7680 : i32
    %dma_wait3A_400 = tpu.memref_slice %arg7[%dma_wait3A_399] : memref<13312xi32, #tpu.memory_space<vmem>> -> memref<512xi32, #tpu.memory_space<vmem>>
    %dma_wait3A_401 = tpu.memref_slice %arg2[%dma_wait3A_394, %mul3A_2] : memref<26x16384xi32, #tpu.memory_space<hbm>> -> memref<1x512xi32, #tpu.memory_space<hbm>>
    %dma_wait3A_402 = tpu.memref_squeeze %dma_wait3A_401 : memref<1x512xi32, #tpu.memory_space<hbm>> -> memref<512xi32, #tpu.memory_space<hbm>>
    tpu.wait_dma2 semaphore(%arg16 : memref<!tpu.dma_semaphore, #tpu.memory_space<semaphore_mem>>) src(%dma_wait3A_402 : memref<512xi32, #tpu.memory_space<hbm>>) dst(%dma_wait3A_400 : memref<512xi32, #tpu.memory_space<vmem>>)
    %dma_wait3A_403 = arith.constant 16 : i32
    %dma_wait3A_404 = arith.constant 8192 : i32
    %dma_wait3A_405 = tpu.memref_slice %arg7[%dma_wait3A_404] : memref<13312xi32, #tpu.memory_space<vmem>> -> memref<512xi32, #tpu.memory_space<vmem>>
    %dma_wait3A_406 = tpu.memref_slice %arg2[%dma_wait3A_403, %mul3A_2] : memref<26x16384xi32, #tpu.memory_space<hbm>> -> memref<1x512xi32, #tpu.memory_space<hbm>>
    %dma_wait3A_407 = tpu.memref_squeeze %dma_wait3A_406 : memref<1x512xi32, #tpu.memory_space<hbm>> -> memref<512xi32, #tpu.memory_space<hbm>>
    %dma_wait3A_408 = arith.constant 8192 : i32
    %dma_wait3A_409 = tpu.memref_slice %arg7[%dma_wait3A_408] : memref<13312xi32, #tpu.memory_space<vmem>> -> memref<512xi32, #tpu.memory_space<vmem>>
    %dma_wait3A_410 = tpu.memref_slice %arg2[%dma_wait3A_403, %mul3A_2] : memref<26x16384xi32, #tpu.memory_space<hbm>> -> memref<1x512xi32, #tpu.memory_space<hbm>>
    %dma_wait3A_411 = tpu.memref_squeeze %dma_wait3A_410 : memref<1x512xi32, #tpu.memory_space<hbm>> -> memref<512xi32, #tpu.memory_space<hbm>>
    tpu.wait_dma2 semaphore(%arg16 : memref<!tpu.dma_semaphore, #tpu.memory_space<semaphore_mem>>) src(%dma_wait3A_411 : memref<512xi32, #tpu.memory_space<hbm>>) dst(%dma_wait3A_409 : memref<512xi32, #tpu.memory_space<vmem>>)
    %dma_wait3A_412 = arith.constant 17 : i32
    %dma_wait3A_413 = arith.constant 8704 : i32
    %dma_wait3A_414 = tpu.memref_slice %arg7[%dma_wait3A_413] : memref<13312xi32, #tpu.memory_space<vmem>> -> memref<512xi32, #tpu.memory_space<vmem>>
    %dma_wait3A_415 = tpu.memref_slice %arg2[%dma_wait3A_412, %mul3A_2] : memref<26x16384xi32, #tpu.memory_space<hbm>> -> memref<1x512xi32, #tpu.memory_space<hbm>>
    %dma_wait3A_416 = tpu.memref_squeeze %dma_wait3A_415 : memref<1x512xi32, #tpu.memory_space<hbm>> -> memref<512xi32, #tpu.memory_space<hbm>>
    %dma_wait3A_417 = arith.constant 8704 : i32
    %dma_wait3A_418 = tpu.memref_slice %arg7[%dma_wait3A_417] : memref<13312xi32, #tpu.memory_space<vmem>> -> memref<512xi32, #tpu.memory_space<vmem>>
    %dma_wait3A_419 = tpu.memref_slice %arg2[%dma_wait3A_412, %mul3A_2] : memref<26x16384xi32, #tpu.memory_space<hbm>> -> memref<1x512xi32, #tpu.memory_space<hbm>>
    %dma_wait3A_420 = tpu.memref_squeeze %dma_wait3A_419 : memref<1x512xi32, #tpu.memory_space<hbm>> -> memref<512xi32, #tpu.memory_space<hbm>>
    tpu.wait_dma2 semaphore(%arg16 : memref<!tpu.dma_semaphore, #tpu.memory_space<semaphore_mem>>) src(%dma_wait3A_420 : memref<512xi32, #tpu.memory_space<hbm>>) dst(%dma_wait3A_418 : memref<512xi32, #tpu.memory_space<vmem>>)
    %dma_wait3A_421 = arith.constant 18 : i32
    %dma_wait3A_422 = arith.constant 9216 : i32
    %dma_wait3A_423 = tpu.memref_slice %arg7[%dma_wait3A_422] : memref<13312xi32, #tpu.memory_space<vmem>> -> memref<512xi32, #tpu.memory_space<vmem>>
    %dma_wait3A_424 = tpu.memref_slice %arg2[%dma_wait3A_421, %mul3A_2] : memref<26x16384xi32, #tpu.memory_space<hbm>> -> memref<1x512xi32, #tpu.memory_space<hbm>>
    %dma_wait3A_425 = tpu.memref_squeeze %dma_wait3A_424 : memref<1x512xi32, #tpu.memory_space<hbm>> -> memref<512xi32, #tpu.memory_space<hbm>>
    %dma_wait3A_426 = arith.constant 9216 : i32
    %dma_wait3A_427 = tpu.memref_slice %arg7[%dma_wait3A_426] : memref<13312xi32, #tpu.memory_space<vmem>> -> memref<512xi32, #tpu.memory_space<vmem>>
    %dma_wait3A_428 = tpu.memref_slice %arg2[%dma_wait3A_421, %mul3A_2] : memref<26x16384xi32, #tpu.memory_space<hbm>> -> memref<1x512xi32, #tpu.memory_space<hbm>>
    %dma_wait3A_429 = tpu.memref_squeeze %dma_wait3A_428 : memref<1x512xi32, #tpu.memory_space<hbm>> -> memref<512xi32, #tpu.memory_space<hbm>>
    tpu.wait_dma2 semaphore(%arg16 : memref<!tpu.dma_semaphore, #tpu.memory_space<semaphore_mem>>) src(%dma_wait3A_429 : memref<512xi32, #tpu.memory_space<hbm>>) dst(%dma_wait3A_427 : memref<512xi32, #tpu.memory_space<vmem>>)
    %dma_wait3A_430 = arith.constant 19 : i32
    %dma_wait3A_431 = arith.constant 9728 : i32
    %dma_wait3A_432 = tpu.memref_slice %arg7[%dma_wait3A_431] : memref<13312xi32, #tpu.memory_space<vmem>> -> memref<512xi32, #tpu.memory_space<vmem>>
    %dma_wait3A_433 = tpu.memref_slice %arg2[%dma_wait3A_430, %mul3A_2] : memref<26x16384xi32, #tpu.memory_space<hbm>> -> memref<1x512xi32, #tpu.memory_space<hbm>>
    %dma_wait3A_434 = tpu.memref_squeeze %dma_wait3A_433 : memref<1x512xi32, #tpu.memory_space<hbm>> -> memref<512xi32, #tpu.memory_space<hbm>>
    %dma_wait3A_435 = arith.constant 9728 : i32
    %dma_wait3A_436 = tpu.memref_slice %arg7[%dma_wait3A_435] : memref<13312xi32, #tpu.memory_space<vmem>> -> memref<512xi32, #tpu.memory_space<vmem>>
    %dma_wait3A_437 = tpu.memref_slice %arg2[%dma_wait3A_430, %mul3A_2] : memref<26x16384xi32, #tpu.memory_space<hbm>> -> memref<1x512xi32, #tpu.memory_space<hbm>>
    %dma_wait3A_438 = tpu.memref_squeeze %dma_wait3A_437 : memref<1x512xi32, #tpu.memory_space<hbm>> -> memref<512xi32, #tpu.memory_space<hbm>>
    tpu.wait_dma2 semaphore(%arg16 : memref<!tpu.dma_semaphore, #tpu.memory_space<semaphore_mem>>) src(%dma_wait3A_438 : memref<512xi32, #tpu.memory_space<hbm>>) dst(%dma_wait3A_436 : memref<512xi32, #tpu.memory_space<vmem>>)
    %scan3A_439 = arith.constant 0 : i32
    %scan3A_440 = arith.constant 0 : i32
    %scan3A_441 = arith.constant 224 : i32
    %scan3A_442 = arith.addi %scan3A_440, %scan3A_441 : i32
    %scan3A_443 = arith.constant 1 : i32
    scf.for %scan3A_574 = %scan3A_440 to %scan3A_442 step %scan3A_443  : i32 {
      %jit3A = arith.constant 32 : i32
      %div3A = arith.divsi %scan3A_574, %jit3A : i32
      %sign3A = arith.constant 0 : i32
      %sign3A_575 = arith.cmpi sgt, %scan3A_574, %sign3A : i32
      %sign3A_576 = arith.extui %sign3A_575 : i1 to i32
      %sign3A_577 = arith.constant 0 : i32
      %sign3A_578 = arith.cmpi slt, %scan3A_574, %sign3A_577 : i32
      %sign3A_579 = arith.extui %sign3A_578 : i1 to i32
      %sign3A_580 = arith.subi %sign3A_576, %sign3A_579 : i32
      %sign3A_581 = arith.constant 0 : i32
      %sign3A_582 = arith.cmpi sgt, %jit3A, %sign3A_581 : i32
      %sign3A_583 = arith.extui %sign3A_582 : i1 to i32
      %sign3A_584 = arith.constant 0 : i32
      %sign3A_585 = arith.cmpi slt, %jit3A, %sign3A_584 : i32
      %sign3A_586 = arith.extui %sign3A_585 : i1 to i32
      %sign3A_587 = arith.subi %sign3A_583, %sign3A_586 : i32
      %ne3A = arith.cmpi ne, %sign3A_580, %sign3A_587 : i32
      %rem3A = arith.remsi %scan3A_574, %jit3A : i32
      %ne3A_588 = arith.constant 0 : i32
      %ne3A_589 = arith.cmpi ne, %rem3A, %ne3A_588 : i32
      %and3A = arith.andi %ne3A, %ne3A_589 : i1
      %sub3A = arith.constant 1 : i32
      %sub3A_590 = arith.subi %div3A, %sub3A : i32
      %select_n3A = arith.select %and3A, %sub3A_590, %div3A : i32
      %add3A_591 = arith.constant 13 : i32
      %add3A_592 = arith.addi %add3A_591, %select_n3A : i32
      %mul3A_593 = arith.constant 512 : i32
      %mul3A_594 = arith.muli %add3A_592, %mul3A_593 : i32
      %jit3A_595 = arith.constant 32 : i32
      %eq3A = arith.constant 0 : i32
      %eq3A_596 = arith.cmpi eq, %jit3A_595, %eq3A : i32
      %jit3A_597 = arith.constant 1 : i32
      %select_n3A_598 = arith.select %eq3A_596, %jit3A_597, %jit3A_595 : i32
      %rem3A_599 = arith.remsi %scan3A_574, %select_n3A_598 : i32
      %ne3A_600 = arith.constant 0 : i32
      %ne3A_601 = arith.cmpi ne, %rem3A_599, %ne3A_600 : i32
      %lt3A = arith.constant 0 : i32
      %lt3A_602 = arith.cmpi slt, %rem3A_599, %lt3A : i32
      %lt3A_603 = arith.constant 0 : i32
      %lt3A_604 = arith.cmpi slt, %select_n3A_598, %lt3A_603 : i32
      %ne3A_605 = arith.xori %lt3A_602, %lt3A_604 : i1
      %and3A_606 = arith.andi %ne3A_605, %ne3A_601 : i1
      %add3A_607 = arith.addi %rem3A_599, %select_n3A_598 : i32
      %select_n3A_608 = arith.select %and3A_606, %add3A_607, %rem3A_599 : i32
      %mul3A_609 = arith.constant 16 : i32
      %mul3A_610 = arith.muli %select_n3A_608, %mul3A_609 : i32
      %add3A_611 = arith.addi %mul3A_594, %mul3A_610 : i32
      %get3A_612 = arith.index_cast %add3A_611 : i32 to index
      %get3A_613 = tpu.vector_load %arg7[%get3A_612] {strides = array<i32>} : memref<13312xi32, #tpu.memory_space<vmem>>, vector<16xi32>,
      %mul3A_614 = arith.constant 100000 : i32
      %mul3A_615 = arith.muli %add3A_592, %mul3A_614 : i32
      %add3A_616 = vector.broadcast %mul3A_615 : i32 to vector<16xi32>
      %add3A_617 = arith.addi %get3A_613, %add3A_616 : vector<16xi32>
      %min3A = arith.minsi %add3A_617, %broadcast_in_dim3A_236 : vector<16xi32>
      %swap3A = arith.index_cast %add3A_611 : i32 to index
      %swap3A_618 = tpu.vector_load %arg7[%swap3A] {strides = array<i32>} : memref<13312xi32, #tpu.memory_space<vmem>>, vector<16xi32>,
      tpu.vector_store %arg7[%swap3A], %min3A {strides = array<i32>} : memref<13312xi32, #tpu.memory_space<vmem>>, vector<16xi32>,
    }
    %scan3A_444 = arith.constant 224 : i32
    %dma_start3A_445 = arith.constant 6656 : i32
    %dma_start3A_446 = tpu.memref_slice %arg8[%dma_start3A_445] : memref<13312xf32, #tpu.memory_space<vmem>> -> memref<3584xf32, #tpu.memory_space<vmem>>
    %dma_start3A_447 = arith.constant 6656 : i32
    %dma_start3A_448 = tpu.memref_slice %arg7[%dma_start3A_447] : memref<13312xi32, #tpu.memory_space<vmem>> -> memref<3584xi32, #tpu.memory_space<vmem>>
    %dma_start3A_449 = arith.constant 0 : i32
    %dma_start3A_450 = tpu.memref_slice %arg3[%dma_start3A_449] : memref<2599936xf32, #tpu.memory_space<hbm>> -> memref<2599936xf32, #tpu.memory_space<hbm>>
    tpu.enqueue_indirect_dma source(%dma_start3A_450 : memref<2599936xf32, #tpu.memory_space<hbm>>) target(%dma_start3A_446 : memref<3584xf32, #tpu.memory_space<vmem>>) offsets(%dma_start3A_448 : memref<3584xi32, #tpu.memory_space<vmem>>) semaphore(%arg20 : memref<!tpu.dma_semaphore, #tpu.memory_space<semaphore_mem>>)
    %dma_wait3A_451 = arith.constant 20 : i32
    %dma_wait3A_452 = arith.constant 10240 : i32
    %dma_wait3A_453 = tpu.memref_slice %arg7[%dma_wait3A_452] : memref<13312xi32, #tpu.memory_space<vmem>> -> memref<512xi32, #tpu.memory_space<vmem>>
    %dma_wait3A_454 = tpu.memref_slice %arg2[%dma_wait3A_451, %mul3A_2] : memref<26x16384xi32, #tpu.memory_space<hbm>> -> memref<1x512xi32, #tpu.memory_space<hbm>>
    %dma_wait3A_455 = tpu.memref_squeeze %dma_wait3A_454 : memref<1x512xi32, #tpu.memory_space<hbm>> -> memref<512xi32, #tpu.memory_space<hbm>>
    %dma_wait3A_456 = arith.constant 10240 : i32
    %dma_wait3A_457 = tpu.memref_slice %arg7[%dma_wait3A_456] : memref<13312xi32, #tpu.memory_space<vmem>> -> memref<512xi32, #tpu.memory_space<vmem>>
    %dma_wait3A_458 = tpu.memref_slice %arg2[%dma_wait3A_451, %mul3A_2] : memref<26x16384xi32, #tpu.memory_space<hbm>> -> memref<1x512xi32, #tpu.memory_space<hbm>>
    %dma_wait3A_459 = tpu.memref_squeeze %dma_wait3A_458 : memref<1x512xi32, #tpu.memory_space<hbm>> -> memref<512xi32, #tpu.memory_space<hbm>>
    tpu.wait_dma2 semaphore(%arg17 : memref<!tpu.dma_semaphore, #tpu.memory_space<semaphore_mem>>) src(%dma_wait3A_459 : memref<512xi32, #tpu.memory_space<hbm>>) dst(%dma_wait3A_457 : memref<512xi32, #tpu.memory_space<vmem>>)
    %dma_wait3A_460 = arith.constant 21 : i32
    %dma_wait3A_461 = arith.constant 10752 : i32
    %dma_wait3A_462 = tpu.memref_slice %arg7[%dma_wait3A_461] : memref<13312xi32, #tpu.memory_space<vmem>> -> memref<512xi32, #tpu.memory_space<vmem>>
    %dma_wait3A_463 = tpu.memref_slice %arg2[%dma_wait3A_460, %mul3A_2] : memref<26x16384xi32, #tpu.memory_space<hbm>> -> memref<1x512xi32, #tpu.memory_space<hbm>>
    %dma_wait3A_464 = tpu.memref_squeeze %dma_wait3A_463 : memref<1x512xi32, #tpu.memory_space<hbm>> -> memref<512xi32, #tpu.memory_space<hbm>>
    %dma_wait3A_465 = arith.constant 10752 : i32
    %dma_wait3A_466 = tpu.memref_slice %arg7[%dma_wait3A_465] : memref<13312xi32, #tpu.memory_space<vmem>> -> memref<512xi32, #tpu.memory_space<vmem>>
    %dma_wait3A_467 = tpu.memref_slice %arg2[%dma_wait3A_460, %mul3A_2] : memref<26x16384xi32, #tpu.memory_space<hbm>> -> memref<1x512xi32, #tpu.memory_space<hbm>>
    %dma_wait3A_468 = tpu.memref_squeeze %dma_wait3A_467 : memref<1x512xi32, #tpu.memory_space<hbm>> -> memref<512xi32, #tpu.memory_space<hbm>>
    tpu.wait_dma2 semaphore(%arg17 : memref<!tpu.dma_semaphore, #tpu.memory_space<semaphore_mem>>) src(%dma_wait3A_468 : memref<512xi32, #tpu.memory_space<hbm>>) dst(%dma_wait3A_466 : memref<512xi32, #tpu.memory_space<vmem>>)
    %dma_wait3A_469 = arith.constant 22 : i32
    %dma_wait3A_470 = arith.constant 11264 : i32
    %dma_wait3A_471 = tpu.memref_slice %arg7[%dma_wait3A_470] : memref<13312xi32, #tpu.memory_space<vmem>> -> memref<512xi32, #tpu.memory_space<vmem>>
    %dma_wait3A_472 = tpu.memref_slice %arg2[%dma_wait3A_469, %mul3A_2] : memref<26x16384xi32, #tpu.memory_space<hbm>> -> memref<1x512xi32, #tpu.memory_space<hbm>>
    %dma_wait3A_473 = tpu.memref_squeeze %dma_wait3A_472 : memref<1x512xi32, #tpu.memory_space<hbm>> -> memref<512xi32, #tpu.memory_space<hbm>>
    %dma_wait3A_474 = arith.constant 11264 : i32
    %dma_wait3A_475 = tpu.memref_slice %arg7[%dma_wait3A_474] : memref<13312xi32, #tpu.memory_space<vmem>> -> memref<512xi32, #tpu.memory_space<vmem>>
    %dma_wait3A_476 = tpu.memref_slice %arg2[%dma_wait3A_469, %mul3A_2] : memref<26x16384xi32, #tpu.memory_space<hbm>> -> memref<1x512xi32, #tpu.memory_space<hbm>>
    %dma_wait3A_477 = tpu.memref_squeeze %dma_wait3A_476 : memref<1x512xi32, #tpu.memory_space<hbm>> -> memref<512xi32, #tpu.memory_space<hbm>>
    tpu.wait_dma2 semaphore(%arg17 : memref<!tpu.dma_semaphore, #tpu.memory_space<semaphore_mem>>) src(%dma_wait3A_477 : memref<512xi32, #tpu.memory_space<hbm>>) dst(%dma_wait3A_475 : memref<512xi32, #tpu.memory_space<vmem>>)
    %dma_wait3A_478 = arith.constant 23 : i32
    %dma_wait3A_479 = arith.constant 11776 : i32
    %dma_wait3A_480 = tpu.memref_slice %arg7[%dma_wait3A_479] : memref<13312xi32, #tpu.memory_space<vmem>> -> memref<512xi32, #tpu.memory_space<vmem>>
    %dma_wait3A_481 = tpu.memref_slice %arg2[%dma_wait3A_478, %mul3A_2] : memref<26x16384xi32, #tpu.memory_space<hbm>> -> memref<1x512xi32, #tpu.memory_space<hbm>>
    %dma_wait3A_482 = tpu.memref_squeeze %dma_wait3A_481 : memref<1x512xi32, #tpu.memory_space<hbm>> -> memref<512xi32, #tpu.memory_space<hbm>>
    %dma_wait3A_483 = arith.constant 11776 : i32
    %dma_wait3A_484 = tpu.memref_slice %arg7[%dma_wait3A_483] : memref<13312xi32, #tpu.memory_space<vmem>> -> memref<512xi32, #tpu.memory_space<vmem>>
    %dma_wait3A_485 = tpu.memref_slice %arg2[%dma_wait3A_478, %mul3A_2] : memref<26x16384xi32, #tpu.memory_space<hbm>> -> memref<1x512xi32, #tpu.memory_space<hbm>>
    %dma_wait3A_486 = tpu.memref_squeeze %dma_wait3A_485 : memref<1x512xi32, #tpu.memory_space<hbm>> -> memref<512xi32, #tpu.memory_space<hbm>>
    tpu.wait_dma2 semaphore(%arg17 : memref<!tpu.dma_semaphore, #tpu.memory_space<semaphore_mem>>) src(%dma_wait3A_486 : memref<512xi32, #tpu.memory_space<hbm>>) dst(%dma_wait3A_484 : memref<512xi32, #tpu.memory_space<vmem>>)
    %dma_wait3A_487 = arith.constant 24 : i32
    %dma_wait3A_488 = arith.constant 12288 : i32
    %dma_wait3A_489 = tpu.memref_slice %arg7[%dma_wait3A_488] : memref<13312xi32, #tpu.memory_space<vmem>> -> memref<512xi32, #tpu.memory_space<vmem>>
    %dma_wait3A_490 = tpu.memref_slice %arg2[%dma_wait3A_487, %mul3A_2] : memref<26x16384xi32, #tpu.memory_space<hbm>> -> memref<1x512xi32, #tpu.memory_space<hbm>>
    %dma_wait3A_491 = tpu.memref_squeeze %dma_wait3A_490 : memref<1x512xi32, #tpu.memory_space<hbm>> -> memref<512xi32, #tpu.memory_space<hbm>>
    %dma_wait3A_492 = arith.constant 12288 : i32
    %dma_wait3A_493 = tpu.memref_slice %arg7[%dma_wait3A_492] : memref<13312xi32, #tpu.memory_space<vmem>> -> memref<512xi32, #tpu.memory_space<vmem>>
    %dma_wait3A_494 = tpu.memref_slice %arg2[%dma_wait3A_487, %mul3A_2] : memref<26x16384xi32, #tpu.memory_space<hbm>> -> memref<1x512xi32, #tpu.memory_space<hbm>>
    %dma_wait3A_495 = tpu.memref_squeeze %dma_wait3A_494 : memref<1x512xi32, #tpu.memory_space<hbm>> -> memref<512xi32, #tpu.memory_space<hbm>>
    tpu.wait_dma2 semaphore(%arg17 : memref<!tpu.dma_semaphore, #tpu.memory_space<semaphore_mem>>) src(%dma_wait3A_495 : memref<512xi32, #tpu.memory_space<hbm>>) dst(%dma_wait3A_493 : memref<512xi32, #tpu.memory_space<vmem>>)
    %dma_wait3A_496 = arith.constant 25 : i32
    %dma_wait3A_497 = arith.constant 12800 : i32
    %dma_wait3A_498 = tpu.memref_slice %arg7[%dma_wait3A_497] : memref<13312xi32, #tpu.memory_space<vmem>> -> memref<512xi32, #tpu.memory_space<vmem>>
    %dma_wait3A_499 = tpu.memref_slice %arg2[%dma_wait3A_496, %mul3A_2] : memref<26x16384xi32, #tpu.memory_space<hbm>> -> memref<1x512xi32, #tpu.memory_space<hbm>>
    %dma_wait3A_500 = tpu.memref_squeeze %dma_wait3A_499 : memref<1x512xi32, #tpu.memory_space<hbm>> -> memref<512xi32, #tpu.memory_space<hbm>>
    %dma_wait3A_501 = arith.constant 12800 : i32
    %dma_wait3A_502 = tpu.memref_slice %arg7[%dma_wait3A_501] : memref<13312xi32, #tpu.memory_space<vmem>> -> memref<512xi32, #tpu.memory_space<vmem>>
    %dma_wait3A_503 = tpu.memref_slice %arg2[%dma_wait3A_496, %mul3A_2] : memref<26x16384xi32, #tpu.memory_space<hbm>> -> memref<1x512xi32, #tpu.memory_space<hbm>>
    %dma_wait3A_504 = tpu.memref_squeeze %dma_wait3A_503 : memref<1x512xi32, #tpu.memory_space<hbm>> -> memref<512xi32, #tpu.memory_space<hbm>>
    tpu.wait_dma2 semaphore(%arg17 : memref<!tpu.dma_semaphore, #tpu.memory_space<semaphore_mem>>) src(%dma_wait3A_504 : memref<512xi32, #tpu.memory_space<hbm>>) dst(%dma_wait3A_502 : memref<512xi32, #tpu.memory_space<vmem>>)
    %scan3A_505 = arith.constant 0 : i32
    %scan3A_506 = arith.constant 0 : i32
    %scan3A_507 = arith.constant 160 : i32
    %scan3A_508 = arith.addi %scan3A_506, %scan3A_507 : i32
    %scan3A_509 = arith.constant 1 : i32
    scf.for %scan3A_574 = %scan3A_506 to %scan3A_508 step %scan3A_509  : i32 {
      %jit3A = arith.constant 32 : i32
      %div3A = arith.divsi %scan3A_574, %jit3A : i32
      %sign3A = arith.constant 0 : i32
      %sign3A_575 = arith.cmpi sgt, %scan3A_574, %sign3A : i32
      %sign3A_576 = arith.extui %sign3A_575 : i1 to i32
      %sign3A_577 = arith.constant 0 : i32
      %sign3A_578 = arith.cmpi slt, %scan3A_574, %sign3A_577 : i32
      %sign3A_579 = arith.extui %sign3A_578 : i1 to i32
      %sign3A_580 = arith.subi %sign3A_576, %sign3A_579 : i32
      %sign3A_581 = arith.constant 0 : i32
      %sign3A_582 = arith.cmpi sgt, %jit3A, %sign3A_581 : i32
      %sign3A_583 = arith.extui %sign3A_582 : i1 to i32
      %sign3A_584 = arith.constant 0 : i32
      %sign3A_585 = arith.cmpi slt, %jit3A, %sign3A_584 : i32
      %sign3A_586 = arith.extui %sign3A_585 : i1 to i32
      %sign3A_587 = arith.subi %sign3A_583, %sign3A_586 : i32
      %ne3A = arith.cmpi ne, %sign3A_580, %sign3A_587 : i32
      %rem3A = arith.remsi %scan3A_574, %jit3A : i32
      %ne3A_588 = arith.constant 0 : i32
      %ne3A_589 = arith.cmpi ne, %rem3A, %ne3A_588 : i32
      %and3A = arith.andi %ne3A, %ne3A_589 : i1
      %sub3A = arith.constant 1 : i32
      %sub3A_590 = arith.subi %div3A, %sub3A : i32
      %select_n3A = arith.select %and3A, %sub3A_590, %div3A : i32
      %add3A_591 = arith.constant 20 : i32
      %add3A_592 = arith.addi %add3A_591, %select_n3A : i32
      %mul3A_593 = arith.constant 512 : i32
      %mul3A_594 = arith.muli %add3A_592, %mul3A_593 : i32
      %jit3A_595 = arith.constant 32 : i32
      %eq3A = arith.constant 0 : i32
      %eq3A_596 = arith.cmpi eq, %jit3A_595, %eq3A : i32
      %jit3A_597 = arith.constant 1 : i32
      %select_n3A_598 = arith.select %eq3A_596, %jit3A_597, %jit3A_595 : i32
      %rem3A_599 = arith.remsi %scan3A_574, %select_n3A_598 : i32
      %ne3A_600 = arith.constant 0 : i32
      %ne3A_601 = arith.cmpi ne, %rem3A_599, %ne3A_600 : i32
      %lt3A = arith.constant 0 : i32
      %lt3A_602 = arith.cmpi slt, %rem3A_599, %lt3A : i32
      %lt3A_603 = arith.constant 0 : i32
      %lt3A_604 = arith.cmpi slt, %select_n3A_598, %lt3A_603 : i32
      %ne3A_605 = arith.xori %lt3A_602, %lt3A_604 : i1
      %and3A_606 = arith.andi %ne3A_605, %ne3A_601 : i1
      %add3A_607 = arith.addi %rem3A_599, %select_n3A_598 : i32
      %select_n3A_608 = arith.select %and3A_606, %add3A_607, %rem3A_599 : i32
      %mul3A_609 = arith.constant 16 : i32
      %mul3A_610 = arith.muli %select_n3A_608, %mul3A_609 : i32
      %add3A_611 = arith.addi %mul3A_594, %mul3A_610 : i32
      %get3A_612 = arith.index_cast %add3A_611 : i32 to index
      %get3A_613 = tpu.vector_load %arg7[%get3A_612] {strides = array<i32>} : memref<13312xi32, #tpu.memory_space<vmem>>, vector<16xi32>,
      %mul3A_614 = arith.constant 100000 : i32
      %mul3A_615 = arith.muli %add3A_592, %mul3A_614 : i32
      %add3A_616 = vector.broadcast %mul3A_615 : i32 to vector<16xi32>
      %add3A_617 = arith.addi %get3A_613, %add3A_616 : vector<16xi32>
      %min3A = arith.minsi %add3A_617, %broadcast_in_dim3A_236 : vector<16xi32>
      %swap3A = arith.index_cast %add3A_611 : i32 to index
      %swap3A_618 = tpu.vector_load %arg7[%swap3A] {strides = array<i32>} : memref<13312xi32, #tpu.memory_space<vmem>>, vector<16xi32>,
      tpu.vector_store %arg7[%swap3A], %min3A {strides = array<i32>} : memref<13312xi32, #tpu.memory_space<vmem>>, vector<16xi32>,
    }
    %scan3A_510 = arith.constant 160 : i32
    %scan3A_511 = arith.constant 0 : i32
    %scan3A_512 = arith.constant 0 : i32
    %scan3A_513 = arith.constant 32 : i32
    %scan3A_514 = arith.addi %scan3A_512, %scan3A_513 : i32
    %scan3A_515 = arith.constant 1 : i32
    scf.for %scan3A_574 = %scan3A_512 to %scan3A_514 step %scan3A_515  : i32 {
      %mul3A_575 = arith.constant 16 : i32
      %mul3A_576 = arith.muli %scan3A_574, %mul3A_575 : i32
      %add3A_577 = arith.constant 12800 : i32
      %add3A_578 = arith.addi %add3A_577, %mul3A_576 : i32
      %get3A_579 = arith.index_cast %add3A_578 : i32 to index
      %get3A_580 = tpu.vector_load %arg7[%get3A_579] {strides = array<i32>} : memref<13312xi32, #tpu.memory_space<vmem>>, vector<16xi32>,
      %ge3A = arith.constant 99936 : i32
      %ge3A_581 = vector.broadcast %ge3A : i32 to vector<16xi32>
      %ge3A_582 = arith.cmpi sge, %get3A_580, %ge3A_581 : vector<16xi32>
      %sub3A = arith.constant 99936 : i32
      %sub3A_583 = vector.broadcast %sub3A : i32 to vector<16xi32>
      %sub3A_584 = arith.subi %get3A_580, %sub3A_583 : vector<16xi32>
      %add3A_585 = arith.constant 1 : i32
      %add3A_586 = vector.broadcast %add3A_585 : i32 to vector<16xi32>
      %add3A_587 = arith.addi %sub3A_584, %add3A_586 : vector<16xi32>
      %jit3A = arith.constant 0 : i32
      %broadcast_in_dim3A_588 = vector.broadcast %jit3A : i32 to vector<16xi32>
      %select_n3A = arith.select %ge3A_582, %add3A_587, %broadcast_in_dim3A_588 : vector<16xi1>, vector<16xi32>
      %mul3A_589 = arith.constant 16 : i32
      %mul3A_590 = arith.muli %scan3A_574, %mul3A_589 : i32
      %swap3A = arith.index_cast %mul3A_590 : i32 to index
      %swap3A_591 = tpu.vector_load %arg9[%swap3A] {strides = array<i32>} : memref<512xi32, #tpu.memory_space<vmem>>, vector<16xi32>,
      tpu.vector_store %arg9[%swap3A], %select_n3A {strides = array<i32>} : memref<512xi32, #tpu.memory_space<vmem>>, vector<16xi32>,
      %add3A_592 = arith.constant 2500000 : i32
      %add3A_593 = vector.broadcast %add3A_592 : i32 to vector<16xi32>
      %add3A_594 = arith.addi %get3A_580, %add3A_593 : vector<16xi32>
      %min3A = arith.minsi %add3A_594, %broadcast_in_dim3A_236 : vector<16xi32>
      %swap3A_595 = arith.index_cast %add3A_578 : i32 to index
      %swap3A_596 = tpu.vector_load %arg7[%swap3A_595] {strides = array<i32>} : memref<13312xi32, #tpu.memory_space<vmem>>, vector<16xi32>,
      tpu.vector_store %arg7[%swap3A_595], %min3A {strides = array<i32>} : memref<13312xi32, #tpu.memory_space<vmem>>, vector<16xi32>,
    }
    %scan3A_516 = arith.constant 32 : i32
    %dma_start3A_517 = arith.constant 10240 : i32
    %dma_start3A_518 = tpu.memref_slice %arg8[%dma_start3A_517] : memref<13312xf32, #tpu.memory_space<vmem>> -> memref<3072xf32, #tpu.memory_space<vmem>>
    %dma_start3A_519 = arith.constant 10240 : i32
    %dma_start3A_520 = tpu.memref_slice %arg7[%dma_start3A_519] : memref<13312xi32, #tpu.memory_space<vmem>> -> memref<3072xi32, #tpu.memory_space<vmem>>
    %dma_start3A_521 = arith.constant 0 : i32
    %dma_start3A_522 = tpu.memref_slice %arg3[%dma_start3A_521] : memref<2599936xf32, #tpu.memory_space<hbm>> -> memref<2599936xf32, #tpu.memory_space<hbm>>
    tpu.enqueue_indirect_dma source(%dma_start3A_522 : memref<2599936xf32, #tpu.memory_space<hbm>>) target(%dma_start3A_518 : memref<3072xf32, #tpu.memory_space<vmem>>) offsets(%dma_start3A_520 : memref<3072xi32, #tpu.memory_space<vmem>>) semaphore(%arg21 : memref<!tpu.dma_semaphore, #tpu.memory_space<semaphore_mem>>)
    %get3A = arith.constant 0 : index
    %get3A_523 = tpu.vector_load %arg13[%get3A] {strides = array<i32>} : memref<16xf32, #tpu.memory_space<vmem>>, vector<16xf32>,
    %broadcast_in_dim3A_524 = arith.constant 0 : i32
    %broadcast_in_dim3A_525 = vector.broadcast %broadcast_in_dim3A_524 : i32 to vector<16xi32>
    %dma_wait3A_526 = arith.constant 0 : i32
    %dma_wait3A_527 = tpu.memref_slice %arg8[%dma_wait3A_526] : memref<13312xf32, #tpu.memory_space<vmem>> -> memref<3584xf32, #tpu.memory_space<vmem>>
    %dma_wait3A_528 = arith.constant 0 : i32
    %dma_wait3A_529 = tpu.memref_slice %arg7[%dma_wait3A_528] : memref<13312xi32, #tpu.memory_space<vmem>> -> memref<3584xi32, #tpu.memory_space<vmem>>
    %dma_wait3A_530 = arith.constant 0 : i32
    %dma_wait3A_531 = tpu.memref_slice %arg3[%dma_wait3A_530] : memref<2599936xf32, #tpu.memory_space<hbm>> -> memref<2599936xf32, #tpu.memory_space<hbm>>
    tpu.wait_indirect_dma semaphore(%arg18 : memref<!tpu.dma_semaphore, #tpu.memory_space<semaphore_mem>>) src(%dma_wait3A_531 : memref<2599936xf32, #tpu.memory_space<hbm>>) dst(%dma_wait3A_527 : memref<3584xf32, #tpu.memory_space<vmem>>)
    %scan3A_532 = arith.constant 0 : i32
    %scan3A_533 = arith.constant 0 : i32
    %scan3A_534 = arith.constant 32 : i32
    %scan3A_535 = arith.addi %scan3A_533, %scan3A_534 : i32
    %scan3A_536 = arith.constant 1 : i32
    scf.for %scan3A_574 = %scan3A_533 to %scan3A_535 step %scan3A_536  : i32 {
      %mul3A_575 = arith.constant 16 : i32
      %mul3A_576 = arith.muli %scan3A_574, %mul3A_575 : i32
      %add3A_577 = arith.constant 0 : i32
      %add3A_578 = arith.addi %add3A_577, %mul3A_576 : i32
      %get3A_579 = arith.index_cast %add3A_578 : i32 to index
      %get3A_580 = tpu.vector_load %arg8[%get3A_579] {strides = array<i32>} : memref<13312xf32, #tpu.memory_space<vmem>>, vector<16xf32>,
      %add3A_581 = arith.addf %get3A_523, %get3A_580 : vector<16xf32>
      %add3A_582 = arith.constant 512 : i32
      %add3A_583 = arith.addi %add3A_582, %mul3A_576 : i32
      %get3A_584 = arith.index_cast %add3A_583 : i32 to index
      %get3A_585 = tpu.vector_load %arg8[%get3A_584] {strides = array<i32>} : memref<13312xf32, #tpu.memory_space<vmem>>, vector<16xf32>,
      %add3A_586 = arith.addf %add3A_581, %get3A_585 : vector<16xf32>
      %add3A_587 = arith.constant 1024 : i32
      %add3A_588 = arith.addi %add3A_587, %mul3A_576 : i32
      %get3A_589 = arith.index_cast %add3A_588 : i32 to index
      %get3A_590 = tpu.vector_load %arg8[%get3A_589] {strides = array<i32>} : memref<13312xf32, #tpu.memory_space<vmem>>, vector<16xf32>,
      %add3A_591 = arith.addf %add3A_586, %get3A_590 : vector<16xf32>
      %add3A_592 = arith.constant 1536 : i32
      %add3A_593 = arith.addi %add3A_592, %mul3A_576 : i32
      %get3A_594 = arith.index_cast %add3A_593 : i32 to index
      %get3A_595 = tpu.vector_load %arg8[%get3A_594] {strides = array<i32>} : memref<13312xf32, #tpu.memory_space<vmem>>, vector<16xf32>,
      %add3A_596 = arith.addf %add3A_591, %get3A_595 : vector<16xf32>
      %add3A_597 = arith.constant 2048 : i32
      %add3A_598 = arith.addi %add3A_597, %mul3A_576 : i32
      %get3A_599 = arith.index_cast %add3A_598 : i32 to index
      %get3A_600 = tpu.vector_load %arg8[%get3A_599] {strides = array<i32>} : memref<13312xf32, #tpu.memory_space<vmem>>, vector<16xf32>,
      %add3A_601 = arith.addf %add3A_596, %get3A_600 : vector<16xf32>
      %add3A_602 = arith.constant 2560 : i32
      %add3A_603 = arith.addi %add3A_602, %mul3A_576 : i32
      %get3A_604 = arith.index_cast %add3A_603 : i32 to index
      %get3A_605 = tpu.vector_load %arg8[%get3A_604] {strides = array<i32>} : memref<13312xf32, #tpu.memory_space<vmem>>, vector<16xf32>,
      %add3A_606 = arith.addf %add3A_601, %get3A_605 : vector<16xf32>
      %add3A_607 = arith.constant 3072 : i32
      %add3A_608 = arith.addi %add3A_607, %mul3A_576 : i32
      %get3A_609 = arith.index_cast %add3A_608 : i32 to index
      %get3A_610 = tpu.vector_load %arg8[%get3A_609] {strides = array<i32>} : memref<13312xf32, #tpu.memory_space<vmem>>, vector<16xf32>,
      %add3A_611 = arith.addf %add3A_606, %get3A_610 : vector<16xf32>
      %swap3A = arith.index_cast %mul3A_576 : i32 to index
      %swap3A_612 = tpu.vector_load %arg11[%swap3A] {strides = array<i32>} : memref<512xf32, #tpu.memory_space<vmem>>, vector<16xf32>,
      tpu.vector_store %arg11[%swap3A], %add3A_611 {strides = array<i32>} : memref<512xf32, #tpu.memory_space<vmem>>, vector<16xf32>,
    }
    %scan3A_537 = arith.constant 32 : i32
    %dma_wait3A_538 = arith.constant 3584 : i32
    %dma_wait3A_539 = tpu.memref_slice %arg8[%dma_wait3A_538] : memref<13312xf32, #tpu.memory_space<vmem>> -> memref<3072xf32, #tpu.memory_space<vmem>>
    %dma_wait3A_540 = arith.constant 3584 : i32
    %dma_wait3A_541 = tpu.memref_slice %arg7[%dma_wait3A_540] : memref<13312xi32, #tpu.memory_space<vmem>> -> memref<3072xi32, #tpu.memory_space<vmem>>
    %dma_wait3A_542 = arith.constant 0 : i32
    %dma_wait3A_543 = tpu.memref_slice %arg3[%dma_wait3A_542] : memref<2599936xf32, #tpu.memory_space<hbm>> -> memref<2599936xf32, #tpu.memory_space<hbm>>
    tpu.wait_indirect_dma semaphore(%arg19 : memref<!tpu.dma_semaphore, #tpu.memory_space<semaphore_mem>>) src(%dma_wait3A_543 : memref<2599936xf32, #tpu.memory_space<hbm>>) dst(%dma_wait3A_539 : memref<3072xf32, #tpu.memory_space<vmem>>)
    %scan3A_544 = arith.constant 0 : i32
    %scan3A_545 = arith.constant 0 : i32
    %scan3A_546 = arith.constant 32 : i32
    %scan3A_547 = arith.addi %scan3A_545, %scan3A_546 : i32
    %scan3A_548 = arith.constant 1 : i32
    scf.for %scan3A_574 = %scan3A_545 to %scan3A_547 step %scan3A_548  : i32 {
      %mul3A_575 = arith.constant 16 : i32
      %mul3A_576 = arith.muli %scan3A_574, %mul3A_575 : i32
      %get3A_577 = arith.index_cast %mul3A_576 : i32 to index
      %get3A_578 = tpu.vector_load %arg11[%get3A_577] {strides = array<i32>} : memref<512xf32, #tpu.memory_space<vmem>>, vector<16xf32>,
      %add3A_579 = arith.constant 3584 : i32
      %add3A_580 = arith.addi %add3A_579, %mul3A_576 : i32
      %get3A_581 = arith.index_cast %add3A_580 : i32 to index
      %get3A_582 = tpu.vector_load %arg8[%get3A_581] {strides = array<i32>} : memref<13312xf32, #tpu.memory_space<vmem>>, vector<16xf32>,
      %add3A_583 = arith.addf %get3A_578, %get3A_582 : vector<16xf32>
      %add3A_584 = arith.constant 4096 : i32
      %add3A_585 = arith.addi %add3A_584, %mul3A_576 : i32
      %get3A_586 = arith.index_cast %add3A_585 : i32 to index
      %get3A_587 = tpu.vector_load %arg8[%get3A_586] {strides = array<i32>} : memref<13312xf32, #tpu.memory_space<vmem>>, vector<16xf32>,
      %add3A_588 = arith.addf %add3A_583, %get3A_587 : vector<16xf32>
      %add3A_589 = arith.constant 4608 : i32
      %add3A_590 = arith.addi %add3A_589, %mul3A_576 : i32
      %get3A_591 = arith.index_cast %add3A_590 : i32 to index
      %get3A_592 = tpu.vector_load %arg8[%get3A_591] {strides = array<i32>} : memref<13312xf32, #tpu.memory_space<vmem>>, vector<16xf32>,
      %add3A_593 = arith.addf %add3A_588, %get3A_592 : vector<16xf32>
      %add3A_594 = arith.constant 5120 : i32
      %add3A_595 = arith.addi %add3A_594, %mul3A_576 : i32
      %get3A_596 = arith.index_cast %add3A_595 : i32 to index
      %get3A_597 = tpu.vector_load %arg8[%get3A_596] {strides = array<i32>} : memref<13312xf32, #tpu.memory_space<vmem>>, vector<16xf32>,
      %add3A_598 = arith.addf %add3A_593, %get3A_597 : vector<16xf32>
      %add3A_599 = arith.constant 5632 : i32
      %add3A_600 = arith.addi %add3A_599, %mul3A_576 : i32
      %get3A_601 = arith.index_cast %add3A_600 : i32 to index
      %get3A_602 = tpu.vector_load %arg8[%get3A_601] {strides = array<i32>} : memref<13312xf32, #tpu.memory_space<vmem>>, vector<16xf32>,
      %add3A_603 = arith.addf %add3A_598, %get3A_602 : vector<16xf32>
      %add3A_604 = arith.constant 6144 : i32
      %add3A_605 = arith.addi %add3A_604, %mul3A_576 : i32
      %get3A_606 = arith.index_cast %add3A_605 : i32 to index
      %get3A_607 = tpu.vector_load %arg8[%get3A_606] {strides = array<i32>} : memref<13312xf32, #tpu.memory_space<vmem>>, vector<16xf32>,
      %add3A_608 = arith.addf %add3A_603, %get3A_607 : vector<16xf32>
      %swap3A = arith.index_cast %mul3A_576 : i32 to index
      %swap3A_609 = tpu.vector_load %arg11[%swap3A] {strides = array<i32>} : memref<512xf32, #tpu.memory_space<vmem>>, vector<16xf32>,
      tpu.vector_store %arg11[%swap3A], %add3A_608 {strides = array<i32>} : memref<512xf32, #tpu.memory_space<vmem>>, vector<16xf32>,
    }
    %scan3A_549 = arith.constant 32 : i32
    %dma_wait3A_550 = arith.constant 6656 : i32
    %dma_wait3A_551 = tpu.memref_slice %arg8[%dma_wait3A_550] : memref<13312xf32, #tpu.memory_space<vmem>> -> memref<3584xf32, #tpu.memory_space<vmem>>
    %dma_wait3A_552 = arith.constant 6656 : i32
    %dma_wait3A_553 = tpu.memref_slice %arg7[%dma_wait3A_552] : memref<13312xi32, #tpu.memory_space<vmem>> -> memref<3584xi32, #tpu.memory_space<vmem>>
    %dma_wait3A_554 = arith.constant 0 : i32
    %dma_wait3A_555 = tpu.memref_slice %arg3[%dma_wait3A_554] : memref<2599936xf32, #tpu.memory_space<hbm>> -> memref<2599936xf32, #tpu.memory_space<hbm>>
    tpu.wait_indirect_dma semaphore(%arg20 : memref<!tpu.dma_semaphore, #tpu.memory_space<semaphore_mem>>) src(%dma_wait3A_555 : memref<2599936xf32, #tpu.memory_space<hbm>>) dst(%dma_wait3A_551 : memref<3584xf32, #tpu.memory_space<vmem>>)
    %scan3A_556 = arith.constant 0 : i32
    %scan3A_557 = arith.constant 0 : i32
    %scan3A_558 = arith.constant 32 : i32
    %scan3A_559 = arith.addi %scan3A_557, %scan3A_558 : i32
    %scan3A_560 = arith.constant 1 : i32
    scf.for %scan3A_574 = %scan3A_557 to %scan3A_559 step %scan3A_560  : i32 {
      %mul3A_575 = arith.constant 16 : i32
      %mul3A_576 = arith.muli %scan3A_574, %mul3A_575 : i32
      %get3A_577 = arith.index_cast %mul3A_576 : i32 to index
      %get3A_578 = tpu.vector_load %arg11[%get3A_577] {strides = array<i32>} : memref<512xf32, #tpu.memory_space<vmem>>, vector<16xf32>,
      %add3A_579 = arith.constant 6656 : i32
      %add3A_580 = arith.addi %add3A_579, %mul3A_576 : i32
      %get3A_581 = arith.index_cast %add3A_580 : i32 to index
      %get3A_582 = tpu.vector_load %arg8[%get3A_581] {strides = array<i32>} : memref<13312xf32, #tpu.memory_space<vmem>>, vector<16xf32>,
      %add3A_583 = arith.addf %get3A_578, %get3A_582 : vector<16xf32>
      %add3A_584 = arith.constant 7168 : i32
      %add3A_585 = arith.addi %add3A_584, %mul3A_576 : i32
      %get3A_586 = arith.index_cast %add3A_585 : i32 to index
      %get3A_587 = tpu.vector_load %arg8[%get3A_586] {strides = array<i32>} : memref<13312xf32, #tpu.memory_space<vmem>>, vector<16xf32>,
      %add3A_588 = arith.addf %add3A_583, %get3A_587 : vector<16xf32>
      %add3A_589 = arith.constant 7680 : i32
      %add3A_590 = arith.addi %add3A_589, %mul3A_576 : i32
      %get3A_591 = arith.index_cast %add3A_590 : i32 to index
      %get3A_592 = tpu.vector_load %arg8[%get3A_591] {strides = array<i32>} : memref<13312xf32, #tpu.memory_space<vmem>>, vector<16xf32>,
      %add3A_593 = arith.addf %add3A_588, %get3A_592 : vector<16xf32>
      %add3A_594 = arith.constant 8192 : i32
      %add3A_595 = arith.addi %add3A_594, %mul3A_576 : i32
      %get3A_596 = arith.index_cast %add3A_595 : i32 to index
      %get3A_597 = tpu.vector_load %arg8[%get3A_596] {strides = array<i32>} : memref<13312xf32, #tpu.memory_space<vmem>>, vector<16xf32>,
      %add3A_598 = arith.addf %add3A_593, %get3A_597 : vector<16xf32>
      %add3A_599 = arith.constant 8704 : i32
      %add3A_600 = arith.addi %add3A_599, %mul3A_576 : i32
      %get3A_601 = arith.index_cast %add3A_600 : i32 to index
      %get3A_602 = tpu.vector_load %arg8[%get3A_601] {strides = array<i32>} : memref<13312xf32, #tpu.memory_space<vmem>>, vector<16xf32>,
      %add3A_603 = arith.addf %add3A_598, %get3A_602 : vector<16xf32>
      %add3A_604 = arith.constant 9216 : i32
      %add3A_605 = arith.addi %add3A_604, %mul3A_576 : i32
      %get3A_606 = arith.index_cast %add3A_605 : i32 to index
      %get3A_607 = tpu.vector_load %arg8[%get3A_606] {strides = array<i32>} : memref<13312xf32, #tpu.memory_space<vmem>>, vector<16xf32>,
      %add3A_608 = arith.addf %add3A_603, %get3A_607 : vector<16xf32>
      %add3A_609 = arith.constant 9728 : i32
      %add3A_610 = arith.addi %add3A_609, %mul3A_576 : i32
      %get3A_611 = arith.index_cast %add3A_610 : i32 to index
      %get3A_612 = tpu.vector_load %arg8[%get3A_611] {strides = array<i32>} : memref<13312xf32, #tpu.memory_space<vmem>>, vector<16xf32>,
      %add3A_613 = arith.addf %add3A_608, %get3A_612 : vector<16xf32>
      %swap3A = arith.index_cast %mul3A_576 : i32 to index
      %swap3A_614 = tpu.vector_load %arg11[%swap3A] {strides = array<i32>} : memref<512xf32, #tpu.memory_space<vmem>>, vector<16xf32>,
      tpu.vector_store %arg11[%swap3A], %add3A_613 {strides = array<i32>} : memref<512xf32, #tpu.memory_space<vmem>>, vector<16xf32>,
    }
    %scan3A_561 = arith.constant 32 : i32
    %dma_wait3A_562 = arith.constant 10240 : i32
    %dma_wait3A_563 = tpu.memref_slice %arg8[%dma_wait3A_562] : memref<13312xf32, #tpu.memory_space<vmem>> -> memref<3072xf32, #tpu.memory_space<vmem>>
    %dma_wait3A_564 = arith.constant 10240 : i32
    %dma_wait3A_565 = tpu.memref_slice %arg7[%dma_wait3A_564] : memref<13312xi32, #tpu.memory_space<vmem>> -> memref<3072xi32, #tpu.memory_space<vmem>>
    %dma_wait3A_566 = arith.constant 0 : i32
    %dma_wait3A_567 = tpu.memref_slice %arg3[%dma_wait3A_566] : memref<2599936xf32, #tpu.memory_space<hbm>> -> memref<2599936xf32, #tpu.memory_space<hbm>>
    tpu.wait_indirect_dma semaphore(%arg21 : memref<!tpu.dma_semaphore, #tpu.memory_space<semaphore_mem>>) src(%dma_wait3A_567 : memref<2599936xf32, #tpu.memory_space<hbm>>) dst(%dma_wait3A_563 : memref<3072xf32, #tpu.memory_space<vmem>>)
    %scan3A_568 = arith.constant 0 : i32
    %scan3A_569 = arith.constant 0 : i32
    %scan3A_570 = arith.constant 32 : i32
    %scan3A_571 = arith.addi %scan3A_569, %scan3A_570 : i32
    %scan3A_572 = arith.constant 1 : i32
    scf.for %scan3A_574 = %scan3A_569 to %scan3A_571 step %scan3A_572  : i32 {
      %mul3A_575 = arith.constant 16 : i32
      %mul3A_576 = arith.muli %scan3A_574, %mul3A_575 : i32
      %get3A_577 = arith.index_cast %mul3A_576 : i32 to index
      %get3A_578 = tpu.vector_load %arg11[%get3A_577] {strides = array<i32>} : memref<512xf32, #tpu.memory_space<vmem>>, vector<16xf32>,
      %add3A_579 = arith.constant 10240 : i32
      %add3A_580 = arith.addi %add3A_579, %mul3A_576 : i32
      %get3A_581 = arith.index_cast %add3A_580 : i32 to index
      %get3A_582 = tpu.vector_load %arg8[%get3A_581] {strides = array<i32>} : memref<13312xf32, #tpu.memory_space<vmem>>, vector<16xf32>,
      %add3A_583 = arith.addf %get3A_578, %get3A_582 : vector<16xf32>
      %add3A_584 = arith.constant 10752 : i32
      %add3A_585 = arith.addi %add3A_584, %mul3A_576 : i32
      %get3A_586 = arith.index_cast %add3A_585 : i32 to index
      %get3A_587 = tpu.vector_load %arg8[%get3A_586] {strides = array<i32>} : memref<13312xf32, #tpu.memory_space<vmem>>, vector<16xf32>,
      %add3A_588 = arith.addf %add3A_583, %get3A_587 : vector<16xf32>
      %add3A_589 = arith.constant 11264 : i32
      %add3A_590 = arith.addi %add3A_589, %mul3A_576 : i32
      %get3A_591 = arith.index_cast %add3A_590 : i32 to index
      %get3A_592 = tpu.vector_load %arg8[%get3A_591] {strides = array<i32>} : memref<13312xf32, #tpu.memory_space<vmem>>, vector<16xf32>,
      %add3A_593 = arith.addf %add3A_588, %get3A_592 : vector<16xf32>
      %add3A_594 = arith.constant 11776 : i32
      %add3A_595 = arith.addi %add3A_594, %mul3A_576 : i32
      %get3A_596 = arith.index_cast %add3A_595 : i32 to index
      %get3A_597 = tpu.vector_load %arg8[%get3A_596] {strides = array<i32>} : memref<13312xf32, #tpu.memory_space<vmem>>, vector<16xf32>,
      %add3A_598 = arith.addf %add3A_593, %get3A_597 : vector<16xf32>
      %add3A_599 = arith.constant 12288 : i32
      %add3A_600 = arith.addi %add3A_599, %mul3A_576 : i32
      %get3A_601 = arith.index_cast %add3A_600 : i32 to index
      %get3A_602 = tpu.vector_load %arg8[%get3A_601] {strides = array<i32>} : memref<13312xf32, #tpu.memory_space<vmem>>, vector<16xf32>,
      %add3A_603 = arith.addf %add3A_598, %get3A_602 : vector<16xf32>
      %add3A_604 = arith.constant 12800 : i32
      %add3A_605 = arith.addi %add3A_604, %mul3A_576 : i32
      %get3A_606 = arith.index_cast %add3A_605 : i32 to index
      %get3A_607 = tpu.vector_load %arg8[%get3A_606] {strides = array<i32>} : memref<13312xf32, #tpu.memory_space<vmem>>, vector<16xf32>,
      %get3A_608 = arith.index_cast %mul3A_576 : i32 to index
      %get3A_609 = tpu.vector_load %arg9[%get3A_608] {strides = array<i32>} : memref<512xi32, #tpu.memory_space<vmem>>, vector<16xi32>,
      %sub3A = arith.constant 1 : i32
      %sub3A_610 = vector.broadcast %sub3A : i32 to vector<16xi32>
      %sub3A_611 = arith.subi %get3A_609, %sub3A_610 : vector<16xi32>
      %max3A = arith.maxsi %sub3A_611, %broadcast_in_dim3A_525 : vector<16xi32>
      %gather3A = tpu.vector_load_idx %arg10[%max3A] : memref<64xf32, #tpu.memory_space<vmem>>[vector<16xi32>], vector<16xf32>,
      %gt3A = arith.constant 0 : i32
      %gt3A_612 = vector.broadcast %gt3A : i32 to vector<16xi32>
      %gt3A_613 = arith.cmpi sgt, %get3A_609, %gt3A_612 : vector<16xi32>
      %select_n3A = arith.select %gt3A_613, %gather3A, %get3A_607 : vector<16xi1>, vector<16xf32>
      %add3A_614 = arith.addf %add3A_603, %select_n3A : vector<16xf32>
      %neg3A = arith.constant 0.000000e+00 : f32
      %neg3A_615 = vector.broadcast %neg3A : f32 to vector<16xf32>
      %neg3A_616 = arith.subf %neg3A_615, %add3A_614 : vector<16xf32>
      %exp3A = math.exp %neg3A_616 : vector<16xf32>
      %add3A_617 = arith.constant 1.000000e+00 : f32
      %add3A_618 = vector.broadcast %add3A_617 : f32 to vector<16xf32>
      %add3A_619 = arith.addf %add3A_618, %exp3A : vector<16xf32>
      %div3A = arith.constant 1.000000e+00 : f32
      %div3A_620 = vector.broadcast %div3A : f32 to vector<16xf32>
      %div3A_621 = arith.divf %div3A_620, %add3A_619 : vector<16xf32>
      %swap3A = arith.index_cast %mul3A_576 : i32 to index
      %swap3A_622 = tpu.vector_load %arg12[%swap3A] {strides = array<i32>} : memref<512xf32, #tpu.memory_space<vmem>>, vector<16xf32>,
      tpu.vector_store %arg12[%swap3A], %div3A_621 {strides = array<i32>} : memref<512xf32, #tpu.memory_space<vmem>>, vector<16xf32>,
    }
    %scan3A_573 = arith.constant 32 : i32
    "tpu.region"() ({
      %run_scoped3A = tpu.sem_alloc : memref<!tpu.dma_semaphore, #tpu.memory_space<semaphore_mem>>
      %dma_start3A_574 = tpu.memref_slice %arg6[%mul3A_2] : memref<16384xf32, #tpu.memory_space<hbm>> -> memref<512xf32, #tpu.memory_space<hbm>>
      %dma_start3A_575 = tpu.memref_slice %arg6[%mul3A_2] : memref<16384xf32, #tpu.memory_space<hbm>> -> memref<512xf32, #tpu.memory_space<hbm>>
      tpu.enqueue_dma source(%arg12 : memref<512xf32, #tpu.memory_space<vmem>>) target(%dma_start3A_575 : memref<512xf32, #tpu.memory_space<hbm>>) target_semaphore(%run_scoped3A : memref<!tpu.dma_semaphore, #tpu.memory_space<semaphore_mem>>)
      %dma_wait3A_576 = tpu.memref_slice %arg6[%mul3A_2] : memref<16384xf32, #tpu.memory_space<hbm>> -> memref<512xf32, #tpu.memory_space<hbm>>
      %dma_wait3A_577 = tpu.memref_slice %arg6[%mul3A_2] : memref<16384xf32, #tpu.memory_space<hbm>> -> memref<512xf32, #tpu.memory_space<hbm>>
      tpu.wait_dma2 semaphore(%run_scoped3A : memref<!tpu.dma_semaphore, #tpu.memory_space<semaphore_mem>>) src(%arg12 : memref<512xf32, #tpu.memory_space<vmem>>) dst(%dma_wait3A_577 : memref<512xf32, #tpu.memory_space<hbm>>)
      tpu.yield
    }) : () -> ()
    return
  }
}

module attributes {stable_mosaic.version = 14 : i64} {
  func.func @_retile_body(%arg0: i32, %arg1: memref<1x524288xf32, #tpu.memory_space<vmem>>, %arg2: memref<524288xf32, #tpu.memory_space<vmem>>) attributes {dimension_semantics = [#tpu.dimension_semantics<arbitrary>], iteration_bounds = array<i64: 5>, scalar_prefetch = 0 : i64, scratch_operands = 0 : i64, tpu.core_type = #tpu.core_type<tc>, window_params = [{transform_indices = @transform_0, window_bounds = array<i64: 1, 524288>}, {transform_indices = @transform_1, window_bounds = array<i64: 524288>}]} {
    %get3A = arith.constant 0 : index
    %get3A_0 = arith.constant 0 : index
    %get3A_1 = vector.load %arg1[%get3A, %get3A_0] : memref<1x524288xf32, #tpu.memory_space<vmem>>, vector<1x524288xf32>
    %get3A_2 = vector.shape_cast %get3A_1 : vector<1x524288xf32> to vector<524288xf32>
    %swap3A = arith.constant 0 : index
    %swap3A_3 = vector.load %arg2[%swap3A] : memref<524288xf32, #tpu.memory_space<vmem>>, vector<524288xf32>
    tpu.vector_store %arg2[%swap3A], %get3A_2 {strides = array<i32>} : memref<524288xf32, #tpu.memory_space<vmem>>, vector<524288xf32>,
    return
  }
  func.func @transform_0(%arg0: i32) -> (i32, i32) {
    %c0_i32 = arith.constant 0 : i32
    %c0_i32_0 = arith.constant 0 : i32
    return %c0_i32, %arg0 : i32, i32
  }
  func.func @transform_1(%arg0: i32) -> i32 {
    %c0_i32 = arith.constant 0 : i32
    return %arg0 : i32
  }
}

</mosaic_0001>

<sc_bundles>
// kernel: kernel.4.cloned.1.call-start
scs
__scs_entry_jumppad:
0x0: {  	(pc) =	sbr.rel $0x88, $3  }
0x1: {  	(tag) =	ssettag $0x0;
	lr =	simm.s32 $0x1  }
0x2: {  	[smem:$0x3F9E] =	sst lr;
	_ =	strace $0xD0000000  }
0x3: {  	_ = 	snop  }
0x4: {  	_ = 	snop  }
0x5: {  	_ = 	snop  }
0x6: {  	_ = 	snop  }
0x7: {  	_ = 	snop  }
__scs_overlays_trampoline_lowered:
0x8: {  	[smem:$0x3FAD] =	sst s0  }
0x9: {  	[smem:$0x3FAE] =	sst s1  }
0xa: {  	[smem:$0x3FAF] =	sst s2  }
0xb: {  	[smem:$0x3FB0] =	sst s3  }
0xc: {  	[smem:$0x3FB1] =	sst s4  }
0xd: {  	[smem:$0x3FB2] =	sst s5  }
0xe: {  	[smem:$0x3FB3] =	sst s6  }
0xf: {  	[smem:$0x3FB4] =	sst s7  }
0x10: {  	[smem:$0x3FB5] =	sst s8  }
0x11: {  	[smem:$0x3FB6] =	sst s9;
	s0 =	simm.s32 @!p0 $0x0  }
0x12: {  	s1 =	sld [smem:$0x3F9C];
	s0 =	simm.s32 @p0 $0x1  }
0x13: {  	[smem:$0x3FB7] =	sst s0;
	s0 =	simm.s32 @!p1 $0x0  }
0x14: {  	s2 =	sld [smem:$0x3F9B];
	s0 =	simm.s32 @p1 $0x1  }
0x15: {  	[smem:$0x3FB8] =	sst s0;
	s0 =	simm.s32 @!p2 $0x0  }
0x16: {  	s3 =	sld [smem:$0x3FDB];
	s0 =	simm.s32 @p2 $0x1  }
0x17: {  	s4 =	simm.s32 $0x1BF5;
	[smem:$0x3FBA] =	sst s0  }
0x18: {  	s0 =	sld [smem:$0x3F9D];
	_ =	swait.ge [sflag:s4], $0x0  }
0x19: {  	s7 =	sld [smem:$0x3F9E]  }
0x1a: {  	s8 =	sadd.s32 $0xFFFFE003, lr  }
0x1b: {  	s9 =	sadd.s32 $0xFFFFFEF7, lr;
	s5 =	simm.s32 $0xFFFFFFFF;
	p2 =	slt.u32 s8, $0xFFFFF086  }
0x1c: {  	p1 =	slt.u32 s9, $0xF7A;
	s5 =	simm.s32 @!p2 $0x0  }
0x1d: {  	s5 =	simm.s32 @p1 $0x1;
	p0 =	seq.s32 s7, s2  }
0x1e: {  	s7 =	smul.u32 @!p0 $0xF7A, s2;
	p2 =	seq.s32 @!p0 s5, $0x0  }
0x1f: {  	s9 =	smul.u32 $0xF7A, s1;
	s8 =	simm.s32 @!p0 $0x1BF5;
	p2 =	por !p2, p0  }
0x20: {  	[sflag:s8] =	ssyncset.s32 @!p0 $0xFFFFF086;
	s6 =	sadd.s32 @!p0 s3, s7;
	s7 =	simm.s32 @!p0 $0x108  }
0x21: {  	s3 =	sadd.s32 s3, s9;
	s6 =	sadd.s32 @!p0 $0x88, s6;
	s7 =	simm.s32 @p2 $0x1082  }
0x22: {  	[simem:s7], [sflag:s8] =	dma.local @!p0 [hbm:s6], $0xF7A  }
0x23: {  	s9 =	sor.u32 $0xD0000000, s2;
	s6 =	simm.s32 $0x108;
	_ =	swait.ge @!p0 [sflag:s8], $0x0  }
0x24: {  	s3 =	sadd.s32 $0x88, s3;
	s6 =	simm.s32 @!p1 $0x1082;
	[sflag:s4] =	ssyncset.s32 $0xFFFFF086  }
0x25: {  	[simem:s6], [sflag:s4] =	dma.local [hbm:s3], $0xF7A  }
0x26: {  	[smem:$0x3F9E] =	sst s1;
	(tag) =	ssettag s2;
	_ =	strace s9  }
0x27: {  	s1 =	sld [smem:$0x3FAE]  }
0x28: {  	s2 =	sld [smem:$0x3FAF]  }
0x29: {  	s4 =	sld [smem:$0x3FB1]  }
0x2a: {  	p0 =	seq.s32 s5, $0x0;
	s5 =	sld [smem:$0x3FB2]  }
0x2b: {  	s6 =	sld [smem:$0x3FB3]  }
0x2c: {  	s7 =	sld [smem:$0x3FB4]  }
0x2d: {  	s3 =	simm.s32 $0x108;
	s8 =	sld [smem:$0x3FB5]  }
0x2e: {  	s3 =	simm.s32 @!p0 $0x1082;
	s9 =	sld [smem:$0x3FB6]  }
0x2f: {  	lr =	sadd.s32 s0, s3;
	s0 =	sld [smem:$0x3FAD]  }
0x30: {  	s3 =	sld [smem:$0x3FB0]  }
0x31: {  	[smem:$0x3FB9] =	sst s10  }
0x32: {  	s10 =	sld [smem:$0x3FB7];
	_ =	sdelay $0x3  }
0x33: {  	p0 =	seq.s32 s10, $0x1;
	s10 =	sld [smem:$0x3FB9];
	_ =	sdelay $0x3  }
0x34: {  	[smem:$0x3FB9] =	sst s10  }
0x35: {  	s10 =	sld [smem:$0x3FB8];
	_ =	sdelay $0x3  }
0x36: {  	p1 =	seq.s32 s10, $0x1;
	s10 =	sld [smem:$0x3FB9];
	_ =	sdelay $0x3  }
0x37: {  	[smem:$0x3FB9] =	sst s10  }
0x38: {  	s10 =	sld [smem:$0x3FBA]  }
0x39: {  	_ = 	snop;
	(pc) =	sbr.ind lr, $3  }
0x3a: {  	_ = 	snop  }
0x3b: {  	_ = 	snop  }
0x3c: {  	p2 =	seq.s32 s10, $0x1;
	s10 =	sld [smem:$0x3FB9]  }
0x3d: {  	_ =	shalt  }
0x3e: {  	_ =	shalt  }
0x3f: {  	_ =	shalt  }
0x40: {  	_ =	shalt  }
0x41: {  	_ =	shalt  }
0x42: {  	_ =	shalt  }
0x43: {  	_ =	shalt  }
0x44: {  	_ =	shalt  }
0x45: {  	_ =	shalt  }
0x46: {  	_ =	shalt  }
0x47: {  	_ =	shalt  }
0x48: {  	_ =	shalt  }
0x49: {  	_ =	shalt  }
0x4a: {  	_ =	shalt  }
0x4b: {  	_ =	shalt  }
0x4c: {  	_ =	shalt  }
0x4d: {  	_ =	shalt  }
0x4e: {  	_ =	shalt  }
0x4f: {  	_ =	shalt  }
0x50: {  	_ =	shalt  }
0x51: {  	_ =	shalt  }
0x52: {  	_ =	shalt  }
0x53: {  	_ =	shalt  }
0x54: {  	_ =	shalt  }
0x55: {  	_ =	shalt  }
0x56: {  	_ =	shalt  }
0x57: {  	_ =	shalt  }
0x58: {  	_ =	shalt  }
0x59: {  	_ =	shalt  }
0x5a: {  	_ =	shalt  }
0x5b: {  	_ =	shalt  }
0x5c: {  	_ =	shalt  }
0x5d: {  	_ =	shalt  }
0x5e: {  	_ =	shalt  }
0x5f: {  	_ =	shalt  }
0x60: {  	_ =	shalt  }
0x61: {  	_ =	shalt  }
0x62: {  	_ =	shalt  }
0x63: {  	_ =	shalt  }
0x64: {  	_ =	shalt  }
0x65: {  	_ =	shalt  }
0x66: {  	_ =	shalt  }
0x67: {  	_ =	shalt  }
0x68: {  	_ =	shalt  }
0x69: {  	_ =	shalt  }
0x6a: {  	_ =	shalt  }
0x6b: {  	_ =	shalt  }
0x6c: {  	_ =	shalt  }
0x6d: {  	_ =	shalt  }
0x6e: {  	_ =	shalt  }
0x6f: {  	_ =	shalt  }
0x70: {  	_ =	shalt  }
0x71: {  	_ =	shalt  }
0x72: {  	_ =	shalt  }
0x73: {  	_ =	shalt  }
0x74: {  	_ =	shalt  }
0x75: {  	_ =	shalt  }
0x76: {  	_ =	shalt  }
0x77: {  	_ =	shalt  }
0x78: {  	_ =	shalt  }
0x79: {  	_ =	shalt  }
0x7a: {  	_ =	shalt  }
0x7b: {  	_ =	shalt  }
0x7c: {  	_ =	shalt  }
0x7d: {  	_ =	shalt  }
0x7e: {  	_ =	shalt  }
0x7f: {  	_ =	shalt  }
0x80: {  	_ =	shalt  }
0x81: {  	_ =	shalt  }
0x82: {  	_ =	shalt  }
0x83: {  	_ =	shalt  }
0x84: {  	_ =	shalt  }
0x85: {  	_ =	shalt  }
0x86: {  	_ =	shalt  }
0x87: {  	_ =	shalt  }
.Lfunc_end0:
.L_simem_size_0:
called_computation_lowered:
.L_overlay_start_0:
0x88: {  	s2 =	sld [smem:$0x3FD9]  }
0x89: {  	s3 =	sld [smem:$0x3FFE];
	_ =	sdelay $0x1  }
0x8a: {  	s1 =	srdreg.scid  }
0x8b: {  	s0 =	sand.u32 $0x1, s1  }
0x8c: {  	s17 =	sshll.u32 s0, $0xA;
	s2 =	sadd.s32 s3, s2  }
0x8d: {  	s2 =	sadd.s32 s2, s17  }
0x8e: {  	[smem:$0x3FC5] =	sst s2  }
0x8f: {  	_ = 	snop  }
0x90: {  	s2 =	sld [smem:$0x3FC9]  }
0x91: {  	s18 =	sld [smem:$0x3FD0];
	(tm) =	ssettm $0x1  }
0x92: {  	s4 =	sld [smem:$0x3FFB];
	_ =	sdelay $0x3  }
0x93: {  	_ =	strace s4  }
0x94: {  	s4 =	sld [smem:$0x3FFC];
	_ =	sdelay $0x3  }
0x95: {  	_ =	strace s4  }
0x96: {  	s4 =	sld [smem:$0x3FFD];
	_ =	sdelay $0x3  }
0x97: {  	_ =	strace s4  }
0x98: {  	_ =	strace $0x8FFFFFFF  }
0x99: {  	s19 =	sld [smem:$0x3FDB];
	_ =	sdelay $0x1  }
0x9a: {  	s5 =	simm.s32 $_scs_section_size  }
0x9b: {  	s6 =	simm.s32 $_size__tile_overlayer_lowered;
	s7 =	simm.s32 $_tile_overlayer_lowered  }
0x9c: {  	s22 =	simm.s32 $0x1BFF;
	s21 =	sshll.u32 s7, $0x1;
	s4 =	sadd.s32 s5, s19  }
0x9d: {  	s8 =	simm.s32 $0x0;
	s20 =	sshll.u32 s6, $0x1;
	s6 =	sadd.s32 s21, s4  }
0x9e: {  	[timem:s8], [sflag:s22] =	dma.local [hbm:s6], s20  }
0x9f: {  	_ =	swait.ge [sflag:s22], s20  }
0xa0: {  	s5 =	ssub.s32 $0x0, s20;
	[sflag:s22] =	ssyncset.done $0x0  }
0xa1: {  	[sflag:s22] =	ssyncadd.s32 s5;
	_ =	sdelay $0x1  }
0xa2: {  	s23 =	simm.s32 $0x1B8B  }
0xa3: {  	_ =	swait.ge [sflag:s23], $0x1  }
0xa4: {  	[sflag:s23] =	ssyncset.done $0x0  }
0xa5: {  	s25 =	simm.s32 $0x1B8E;
	s24 =	sld [smem:$0x3FFE];
	[sflag:s23] =	ssyncadd.s32 $0xFFFFFFFF  }
0xa6: {  	s26 =	simm.s32 $execute0_lowered;
	[smem:$0x3FD2] =	sst s25  }
0xa7: {  	s6 =	sshll.u32 s26, $0x1;
	_ =	strace $0x80000046;
	[dreg:$0x1] =	wrdreg $0xFFFFFFFF  }
0xa8: {  	s28 =	simm.s32 $_size_execute0_lowered;
	s4 =	sadd.s32 s4, s6;
	[dreg:$0x0] =	wrdreg $0x0  }
0xa9: {  	s6 =	sshll.u32 s28, $0x1;
	[dreg:$0x2] =	wrdreg s4  }
0xaa: {  	[dreg:$0x3] =	wrdreg s6  }
0xab: {  	[dreg:$0x4] =	wrdreg $0xC0  }
0xac: {  	_ =	task [dreg:s8], $0x5FFFF  }
0xad: {  	[dreg:$0x1] =	wrdreg $0xFFFFFFFF  }
0xae: {  	[dreg:$0x0] =	wrdreg $0x60  }
0xaf: {  	[dreg:$0x2] =	wrdreg s2  }
0xb0: {  	[dreg:$0x3] =	wrdreg s24  }
0xb1: {  	[dreg:$0x4] =	wrdreg s18  }
0xb2: {  	[dreg:$0x5] =	wrdreg $0x9  }
0xb3: {  	_ =	task.clear_ibuf [dreg:s8], $0x6FFFF;
	_ =	strace $0x90000046  }
0xb4: {  	s29 =	simm.s32 $0x9;
	_ =	strace $0x80000048  }
0xb5: {  	_ =	swait.ge [sflag:s29], $0x1  }
0xb6: {  	[sflag:s29] =	ssyncadd.s32 $0xFFFFFFFF  }
0xb7: {  	_ =	strace $0x90000048  }
0xb8: {  	_ =	sfence  }
0xb9: {  	s30 =	sld [smem:$0x0];
	_ =	sdelay $0x2  }
0xba: {  	s31 =	sshll.u32 s1, $0xD;
	s1 =	sshrl.u32 s1, $0x2  }
0xbb: {  	s3 =	sand.u32 $0x4000, s31;
	s1 =	sadd.s32 s1, s30  }
0xbc: {  	s0 =	sor.u32 s3, s0;
	s1 =	sshll.u32 s1, $0x11  }
0xbd: {  	s0 =	sor.u32 s1, s0  }
0xbe: {  	s0 =	sadd.s32 $0x8F2B, s0  }
0xbf: {  	[sflag:s0] =	ssyncadd.remote.s32 $0x1  }
0xc0: {  	_ =	sfence.sel $0xFFFF  }
0xc1: {  	[dreg:$0x0] =	wrdreg $0xFFFFFFFF;
	(pc) =	sbr.abs _section_cstart, $3  }
0xc2: {  	[dreg:$0x1] =	wrdreg $0xFFFFFFFF  }
0xc3: {  	_ =	task.clear_ibuf [dreg:s8], $0x2FFFF;
	_ =	strace $0x9FFFFFFF  }
0xc4: {  	(tm) =	ssettm $0x7FFFFFFF  }
0xc5: {  	_ =	shalt  }
tec
execute0_lowered:
.L_overlay_start_1:
0x0: {  	(tag) =	ssettag $0x1  }
0x1: {  	s0 =	rddreg [dreg:$0x0]  }
0x2: {  	s1 =	rddreg [dreg:$0x1]  }
0x3: {  	s4 =	rddreg [dreg:$0x2];
	s2 =	simm.s32 $0x0;
	s3 =	srdreg.scid  }
0x4: {  	s6 =	stileid.u32;
	[smem:$0x7FF] =	sst s2;
	s5 =	sand.u32 $0x1, s3  }
0x5: {  	s3 =	sadd.s32 $0xA00, s1;
	s6 =	sshll.u32 s6, $0xA;
	s7 =	sshll.u32 s5, $0x9  }
0x6: {  	s8 =	sadd.s32 $0x800, s1;
	s1 =	sadd.s32 $0x50000, s1;
	s7 =	sor.u32 s7, s6  }
0x7: {  	_ =	strace $0x80000047;
	[dreg:$0x4] =	wrdreg s8;
	s6 =	sadd.s32 s0, s7  }
0x8: {  	[dreg:$0x5] =	wrdreg s1;
	s8 =	sadd.s32 $0x10, s6  }
0x9: {  	s9 =	sadd.s32 $0x20, s6;
	[dreg:$0x6] =	wrdreg s8  }
0xa: {  	s10 =	sadd.s32 $0x30, s6;
	[dreg:$0x7] =	wrdreg s9  }
0xb: {  	s11 =	sadd.s32 $0x40, s6;
	[dreg:$0x8] =	wrdreg s10  }
0xc: {  	s12 =	sadd.s32 $0x50, s6;
	[dreg:$0x9] =	wrdreg s11  }
0xd: {  	s13 =	sadd.s32 $0x60, s6;
	[dreg:$0xa] =	wrdreg s12  }
0xe: {  	s14 =	sadd.s32 $0x70, s6;
	[dreg:$0xb] =	wrdreg s13  }
0xf: {  	s15 =	sadd.s32 $0x4000, s6;
	[dreg:$0xc] =	wrdreg s14  }
0x10: {  	s16 =	sadd.s32 $0x4010, s6;
	[dreg:$0xd] =	wrdreg s15  }
0x11: {  	s17 =	sadd.s32 $0x4020, s6;
	[dreg:$0xe] =	wrdreg s16  }
0x12: {  	s18 =	sadd.s32 $0x4030, s6;
	[dreg:$0xf] =	wrdreg s17  }
0x13: {  	s19 =	sadd.s32 $0x4040, s6;
	[dreg:$0x10] =	wrdreg s18  }
0x14: {  	s20 =	sadd.s32 $0x4050, s6;
	[dreg:$0x11] =	wrdreg s19  }
0x15: {  	s21 =	sadd.s32 $0x4060, s6;
	[dreg:$0x12] =	wrdreg s20  }
0x16: {  	s5 =	ssub.s32 $0x2, s5;
	s22 =	sadd.s32 $0x4070, s6;
	[dreg:$0x13] =	wrdreg s21  }
0x17: {  	s24 =	sshrl.u32 s7, $0x3;
	s23 =	sadd.s32 $0x8000, s6;
	[dreg:$0x14] =	wrdreg s22  }
0x18: {  	s30 =	sshrl.u32 s5, $0x1;
	s1 =	sadd.s32 s4, s24;
	[dreg:$0x15] =	wrdreg s23  }
0x19: {  	s5 =	ssub.s32 s5, s30;
	s25 =	sadd.s32 $0x8010, s6;
	[dreg:$0x16] =	wrdreg s1  }
0x1a: {  	s0 =	smax.u32 s5, $0x1;
	[dreg:$0x17] =	wrdreg s25  }
0x1b: {  	s7 =	simm.s32 $0x400;
	s26 =	sadd.s32 $0x8020, s6;
	[dreg:$0x18] =	wrdreg s0  }
0x1c: {  	s28 =	sadd.s32 $0x8030, s6;
	s29 =	sadd.s32 $0x8040, s6;
	[dreg:$0x19] =	wrdreg s26  }
0x1d: {  	s30 =	sadd.s32 $0x8050, s6;
	s31 =	sadd.s32 $0x8060, s6;
	[dreg:$0x1a] =	wrdreg s28  }
0x1e: {  	s4 =	sadd.s32 $0xC010, s6;
	s5 =	simm.s32 $0x80;
	[dreg:$0x1b] =	wrdreg s29  }
0x1f: {  	[dreg:$0x1c] =	wrdreg s30;
	s0 =	sadd.s32 $0x8070, s6;
	s1 =	sadd.s32 $0xC000, s6  }
0x20: {  	s8 =	simm.s32 $0xC00;
	s9 =	simm.s32 $0xE00;
	s10 =	simm.s32 $0x1A00  }
0x21: {  	s11 =	simm.s32 $0x2800;
	s12 =	simm.s32 $0x1;
	s13 =	simm.s32 $0x6A00  }
0x22: {  	s14 =	simm.s32 $0x9;
	s15 =	simm.s32 $0x2;
	s16 =	simm.s32 $0x3  }
0x23: {  	s17 =	simm.s32 $0x4;
	s18 =	simm.s32 $0x5;
	s19 =	simm.s32 $0x6  }
0x24: {  	s20 =	simm.s32 $0x7;
	s21 =	simm.s32 $0x8;
	s22 =	simm.s32 $0x0  }
.LBB2_1:
0x25: {  	[tilespmem:s2], [sflag:$0x1] =	stream.strided.gather [hbm4b:s6+s5], $0x200, s7, s5, $0x38;
	[tilespmem:$0x6F00] =	vst v63  }
0x26: {  	s23 =	rddreg [dreg:$0x6];
	s24 =	simm.s32 $0x200  }
0x27: {  	[tilespmem:s24], [sflag:$0x1] =	stream.strided.gather [hbm4b:s23+s5], $0x200, s7, s5, $0x38;
	[tilespmem:$0x6F00] =	vst v63  }
0x28: {  	s26 =	rddreg [dreg:$0x7]  }
0x29: {  	[tilespmem:s7], [sflag:$0x1] =	stream.strided.gather [hbm4b:s26+s5], $0x200, s7, s5, $0x38;
	[tilespmem:$0x6F00] =	vst v63  }
0x2a: {  	s29 =	rddreg [dreg:$0x8];
	s30 =	simm.s32 $0x600  }
0x2b: {  	[tilespmem:s30], [sflag:$0x1] =	stream.strided.gather [hbm4b:s29+s5], $0x200, s7, s5, $0x38;
	[tilespmem:$0x6F00] =	vst v63  }
0x2c: {  	s25 =	rddreg [dreg:$0x9];
	s26 =	simm.s32 $0x800  }
0x2d: {  	[tilespmem:s26], [sflag:$0x1] =	stream.strided.gather [hbm4b:s25+s5], $0x200, s7, s5, $0x38;
	[tilespmem:$0x6F00] =	vst v63  }
0x2e: {  	s29 =	rddreg [dreg:$0xa];
	s30 =	simm.s32 $0xA00  }
0x2f: {  	[tilespmem:s30], [sflag:$0x1] =	stream.strided.gather [hbm4b:s29+s5], $0x200, s7, s5, $0x38;
	[tilespmem:$0x6F00] =	vst v63  }
0x30: {  	s25 =	rddreg [dreg:$0xb]  }
0x31: {  	[tilespmem:s8], [sflag:$0x1] =	stream.strided.gather [hbm4b:s25+s5], $0x200, s7, s5, $0x38;
	[tilespmem:$0x6F00] =	vst v63  }
0x32: {  	s26 =	rddreg [dreg:$0xc]  }
0x33: {  	[tilespmem:s9], [sflag:$0x2] =	stream.strided.gather [hbm4b:s26+s5], $0x200, s7, s5, $0x38;
	[tilespmem:$0x6F00] =	vst v63  }
0x34: {  	s29 =	rddreg [dreg:$0xd];
	s30 =	simm.s32 $0x1000  }
0x35: {  	[tilespmem:s30], [sflag:$0x2] =	stream.strided.gather [hbm4b:s29+s5], $0x200, s7, s5, $0x38;
	[tilespmem:$0x6F00] =	vst v63  }
0x36: {  	s25 =	rddreg [dreg:$0xe];
	s26 =	simm.s32 $0x1200  }
0x37: {  	[tilespmem:s26], [sflag:$0x2] =	stream.strided.gather [hbm4b:s25+s5], $0x200, s7, s5, $0x38;
	[tilespmem:$0x6F00] =	vst v63  }
0x38: {  	s29 =	rddreg [dreg:$0xf];
	s30 =	simm.s32 $0x1400  }
0x39: {  	[tilespmem:s30], [sflag:$0x2] =	stream.strided.gather [hbm4b:s29+s5], $0x200, s7, s5, $0x38;
	[tilespmem:$0x6F00] =	vst v63  }
0x3a: {  	s25 =	rddreg [dreg:$0x10];
	s26 =	simm.s32 $0x1600  }
0x3b: {  	[tilespmem:s26], [sflag:$0x2] =	stream.strided.gather [hbm4b:s25+s5], $0x200, s7, s5, $0x38;
	[tilespmem:$0x6F00] =	vst v63  }
0x3c: {  	s29 =	rddreg [dreg:$0x11];
	s30 =	simm.s32 $0x1800  }
0x3d: {  	[tilespmem:s30], [sflag:$0x2] =	stream.strided.gather [hbm4b:s29+s5], $0x200, s7, s5, $0x38;
	[tilespmem:$0x6F00] =	vst v63  }
0x3e: {  	s24 =	rddreg [dreg:$0x12]  }
0x3f: {  	[tilespmem:s10], [sflag:$0x3] =	stream.strided.gather [hbm4b:s24+s5], $0x200, s7, s5, $0x38;
	[tilespmem:$0x6F00] =	vst v63  }
0x40: {  	s25 =	rddreg [dreg:$0x13];
	s26 =	simm.s32 $0x1C00  }
0x41: {  	[tilespmem:s26], [sflag:$0x3] =	stream.strided.gather [hbm4b:s25+s5], $0x200, s7, s5, $0x38;
	[tilespmem:$0x6F00] =	vst v63  }
0x42: {  	s29 =	rddreg [dreg:$0x14];
	s30 =	simm.s32 $0x1E00  }
0x43: {  	[tilespmem:s30], [sflag:$0x3] =	stream.strided.gather [hbm4b:s29+s5], $0x200, s7, s5, $0x38;
	[tilespmem:$0x6F00] =	vst v63  }
0x44: {  	s25 =	rddreg [dreg:$0x15];
	s26 =	simm.s32 $0x2000  }
0x45: {  	[tilespmem:s26], [sflag:$0x3] =	stream.strided.gather [hbm4b:s25+s5], $0x200, s7, s5, $0x38;
	[tilespmem:$0x6F00] =	vst v63  }
0x46: {  	s29 =	rddreg [dreg:$0x17];
	s30 =	simm.s32 $0x2200  }
0x47: {  	[tilespmem:s30], [sflag:$0x3] =	stream.strided.gather [hbm4b:s29+s5], $0x200, s7, s5, $0x38;
	[tilespmem:$0x6F00] =	vst v63  }
0x48: {  	s25 =	rddreg [dreg:$0x19];
	s26 =	simm.s32 $0x2400  }
0x49: {  	[tilespmem:s26], [sflag:$0x3] =	stream.strided.gather [hbm4b:s25+s5], $0x200, s7, s5, $0x38;
	[tilespmem:$0x6F00] =	vst v63  }
0x4a: {  	s29 =	rddreg [dreg:$0x1a];
	s30 =	simm.s32 $0x2600  }
0x4b: {  	[tilespmem:s30], [sflag:$0x3] =	stream.strided.gather [hbm4b:s29+s5], $0x200, s7, s5, $0x38;
	[tilespmem:$0x6F00] =	vst v63  }
0x4c: {  	s24 =	rddreg [dreg:$0x1b]  }
0x4d: {  	[tilespmem:s11], [sflag:$0x4] =	stream.strided.gather [hbm4b:s24+s5], $0x200, s7, s5, $0x38;
	[tilespmem:$0x6F00] =	vst v63  }
0x4e: {  	s25 =	rddreg [dreg:$0x1c];
	s26 =	simm.s32 $0x2A00  }
0x4f: {  	[tilespmem:s26], [sflag:$0x4] =	stream.strided.gather [hbm4b:s25+s5], $0x200, s7, s5, $0x38;
	[tilespmem:$0x6F00] =	vst v63  }
0x50: {  	s29 =	simm.s32 $0x2C00  }
0x51: {  	[tilespmem:s29], [sflag:$0x4] =	stream.strided.gather [hbm4b:s31+s5], $0x200, s7, s5, $0x38;
	[tilespmem:$0x6F00] =	vst v63  }
0x52: {  	s30 =	simm.s32 $0x2E00  }
0x53: {  	[tilespmem:s30], [sflag:$0x4] =	stream.strided.gather [hbm4b:s0+s5], $0x200, s7, s5, $0x38;
	[tilespmem:$0x6F00] =	vst v63  }
0x54: {  	s24 =	simm.s32 $0x3000  }
0x55: {  	[tilespmem:s24], [sflag:$0x4] =	stream.strided.gather [hbm4b:s1+s5], $0x200, s7, s5, $0x38;
	[tilespmem:$0x6F00] =	vst v63  }
0x56: {  	s25 =	simm.s32 $0x3200  }
0x57: {  	[tilespmem:s25], [sflag:$0x4] =	stream.strided.gather [hbm4b:s4+s5], $0x200, s7, s5, $0x38;
	[tilespmem:$0x6F00] =	vst v63  }
0x58: {  	_ =	swait.ge [sflag:s12], $0x200  }
0x59: {  	[sflag:s12] =	ssyncset.done $0x0  }
0x5a: {  	[sflag:s12] =	ssyncadd.s32 $0xFFFFFE00  }
0x5b: {  	_ =	swait.ge [sflag:s12], $0x200  }
0x5c: {  	[sflag:s12] =	ssyncset.done $0x0  }
0x5d: {  	[sflag:s12] =	ssyncadd.s32 $0xFFFFFE00  }
0x5e: {  	_ =	swait.ge [sflag:s12], $0x200  }
0x5f: {  	[sflag:s12] =	ssyncset.done $0x0  }
0x60: {  	[sflag:s12] =	ssyncadd.s32 $0xFFFFFE00  }
0x61: {  	_ =	swait.ge [sflag:s12], $0x200  }
0x62: {  	[sflag:s12] =	ssyncset.done $0x0  }
0x63: {  	[sflag:s12] =	ssyncadd.s32 $0xFFFFFE00  }
0x64: {  	_ =	swait.ge [sflag:s12], $0x200  }
0x65: {  	[sflag:s12] =	ssyncset.done $0x0  }
0x66: {  	[sflag:s12] =	ssyncadd.s32 $0xFFFFFE00  }
0x67: {  	_ =	swait.ge [sflag:s12], $0x200  }
0x68: {  	[sflag:s12] =	ssyncset.done $0x0  }
0x69: {  	[sflag:s12] =	ssyncadd.s32 $0xFFFFFE00  }
0x6a: {  	s26 =	simm.s32 $0x0;
	_ =	swait.ge [sflag:s12], $0x200  }
0x6b: {  	s23 =	sand.u32 $0x3FFFFE00, s26;
	s29 =	sand.u32 $0x1F0, s2;
	[sflag:s12] =	ssyncset.done $0x0  }
0x6c: {  	s23 =	sor.u32 s29, s23;
	[sflag:s12] =	ssyncadd.s32 $0xFFFFFE00  }
0x6d: {  	v0 =	vld [tilespmem:s23+$0x0];
	_ =	sdelay $0x1  }
0x6e: {  	s30 =	simm.s32 $0x0  }
0x6f: {  	s25 =	smul.u32 $0x186A0, s30;
	_ =	sdelay $0x1  }
0x70: {  	s28 =	simm.s32 $0x10;
	v0 =	vadd.s32 s25, v0  }
0x71: {  	s26 =	simm.s32 $0x10;
	s24 =	simm.s32 $0x1;
	s25 =	simm.s32 $0x2;
	vm0 =	vlt.s32 v0, $0x27ABFF  }
.LBB2_2:
0x72: {  	p0 =	sne.s32 s25, $0xDF;
	s29 =	sand.u32 $0x1F0, s26;
	s28 =	sand.u32 $0x3FFFFE00, s28;
	v0 =	vnsel vm0, $0x27ABFF, v0  }
0x73: {  	[tilespmem:s23+$0x0] =	vst v0;
	s23 =	sor.u32 s29, s28  }
0x74: {  	v0 =	vld [tilespmem:s23+$0x0];
	_ =	sdelay $0x1  }
.Ltmp0:
0x75: {  	s28 =	sshrl.u32 s24, $0x5;
	s24 =	smov.u32 s25;
	(pc) =	sbr.rel @p0 .LBB2_2-.Ltmp0, $3  }
0x76: {  	s28 =	smul.u32 $0x186A0, s28;
	_ =	sdelay $0x1  }
0x77: {  	v0 =	vadd.s32 s28, v0  }
0x78: {  	s26 =	sadd.s32 $0x10, s26;
	s25 =	sadd.s32 $0x1, s25;
	s28 =	sshll.u32 s24, $0x4;
	vm0 =	vlt.s32 v0, $0x27ABFF  }
0x79: {  	s25 =	sand.u32 $0x1F0, s26;
	s30 =	sand.u32 $0x3FFFFE00, s28;
	v0 =	vnsel vm0, $0x27ABFF, v0  }
0x7a: {  	s25 =	sor.u32 s25, s30;
	[tilespmem:s23+$0x0] =	vst v0  }
0x7b: {  	v0 =	vld [tilespmem:s25+$0x0];
	_ =	sdelay $0x1  }
0x7c: {  	s24 =	sshrl.u32 s24, $0x5  }
0x7d: {  	s23 =	smul.u32 $0x186A0, s24;
	_ =	sdelay $0x1  }
0x7e: {  	v0 =	vadd.s32 s23, v0  }
0x7f: {  	vm15 =	vlt.s32 v0, $0x27ABFF  }
0x80: {  	v0 =	vnsel vm15, $0x27ABFF, v0  }
0x81: {  	s23 =	simm.s32 $0x0;
	[tilespmem:s25+$0x0] =	vst v0;
	s25 =	simm.s32 $0x3400  }
0x82: {  	[tilespmem:s25], [sflag:$0x5] =	stream.indirect.gather [hbm4b:s3+s9], $0x1, s23, s9, $0xb8;
	[tilespmem:$0x6F00] =	vst v63  }
0x83: {  	s26 =	rddreg [dreg:$0x4]  }
0x84: {  	[tilespmem:s13], [sflag:$0x9] =	stream.linear.gather [hbm4b:s26+s23], $0x80, $0x38;
	[tilespmem:$0x6F00] =	vst v63  }
0x85: {  	_ =	swait.ge [sflag:s14], $0x80  }
0x86: {  	[sflag:s14] =	ssyncset.done $0x0  }
0x87: {  	s30 =	simm.s32 $0x6E80;
	s29 =	rddreg [dreg:$0x5];
	[sflag:s14] =	ssyncadd.s32 $0xFFFFFF80  }
0x88: {  	[tilespmem:s30], [sflag:$0x9] =	stream.linear.gather [hbm4b:s29+s23], $0x80, $0x38;
	[tilespmem:$0x6F00] =	vst v63  }
0x89: {  	_ =	swait.ge [sflag:s14], $0x80  }
0x8a: {  	[sflag:s14] =	ssyncset.done $0x0  }
0x8b: {  	[sflag:s14] =	ssyncadd.s32 $0xFFFFFF80  }
0x8c: {  	_ =	swait.ge [sflag:s15], $0x200  }
0x8d: {  	[sflag:s15] =	ssyncset.done $0x0  }
0x8e: {  	[sflag:s15] =	ssyncadd.s32 $0xFFFFFE00  }
0x8f: {  	_ =	swait.ge [sflag:s15], $0x200  }
0x90: {  	[sflag:s15] =	ssyncset.done $0x0  }
0x91: {  	[sflag:s15] =	ssyncadd.s32 $0xFFFFFE00  }
0x92: {  	_ =	swait.ge [sflag:s15], $0x200  }
0x93: {  	[sflag:s15] =	ssyncset.done $0x0  }
0x94: {  	[sflag:s15] =	ssyncadd.s32 $0xFFFFFE00  }
0x95: {  	_ =	swait.ge [sflag:s15], $0x200  }
0x96: {  	[sflag:s15] =	ssyncset.done $0x0  }
0x97: {  	[sflag:s15] =	ssyncadd.s32 $0xFFFFFE00  }
0x98: {  	_ =	swait.ge [sflag:s15], $0x200  }
0x99: {  	[sflag:s15] =	ssyncset.done $0x0  }
0x9a: {  	[sflag:s15] =	ssyncadd.s32 $0xFFFFFE00  }
0x9b: {  	s26 =	simm.s32 $0xE00;
	_ =	swait.ge [sflag:s15], $0x200  }
0x9c: {  	s24 =	sand.u32 $0x3FFFFE00, s26;
	s29 =	sand.u32 $0x1F0, s23;
	[sflag:s15] =	ssyncset.done $0x0  }
0x9d: {  	s24 =	sor.u32 s29, s24;
	[sflag:s15] =	ssyncadd.s32 $0xFFFFFE00  }
0x9e: {  	v0 =	vld [tilespmem:s24+$0x0];
	_ =	sdelay $0x1  }
0x9f: {  	s30 =	simm.s32 $0x7  }
0xa0: {  	s26 =	smul.u32 $0x186A0, s30  }
0xa1: {  	s28 =	simm.s32 $0x0;
	s25 =	simm.s32 $0x2  }
.LBB2_4:
0xa2: {  	p0 =	sne.s32 s25, $0xBF;
	s28 =	sadd.s32 $0x7, s28;
	v0 =	vadd.s32 s26, v0  }
0xa3: {  	s23 =	sadd.s32 $0x10, s23;
	s26 =	sshll.u32 s28, $0x9;
	vm0 =	vlt.s32 v0, $0x27ABFF  }
0xa4: {  	s29 =	sand.u32 $0x1F0, s23;
	s26 =	sand.u32 $0x3FFFFE00, s26;
	v0 =	vnsel vm0, $0x27ABFF, v0  }
0xa5: {  	[tilespmem:s24+$0x0] =	vst v0;
	s24 =	sor.u32 s29, s26  }
.Ltmp1:
0xa6: {  	v0 =	vld [tilespmem:s24+$0x0];
	(pc) =	sbr.rel @p0 .LBB2_4-.Ltmp1, $3  }
0xa7: {  	_ =	sdelay $0x1  }
0xa8: {  	s26 =	smul.u32 $0x186A0, s28  }
0xa9: {  	s28 =	sshrl.u32 s25, $0x5;
	s25 =	sadd.s32 $0x1, s25  }
0xaa: {  	s25 =	sadd.s32 $0x7, s28;
	v0 =	vadd.s32 s26, v0  }
0xab: {  	s23 =	sadd.s32 $0x10, s23;
	s29 =	sshll.u32 s25, $0x9;
	vm0 =	vlt.s32 v0, $0x27ABFF  }
0xac: {  	s23 =	sand.u32 $0x1F0, s23;
	s26 =	sand.u32 $0x3FFFFE00, s29;
	v0 =	vnsel vm0, $0x27ABFF, v0  }
0xad: {  	s23 =	sor.u32 s23, s26;
	[tilespmem:s24+$0x0] =	vst v0  }
0xae: {  	v0 =	vld [tilespmem:s23+$0x0];
	_ =	sdelay $0x2  }
0xaf: {  	s30 =	smul.u32 $0x186A0, s25;
	_ =	sdelay $0x1  }
0xb0: {  	v0 =	vadd.s32 s30, v0  }
0xb1: {  	vm15 =	vlt.s32 v0, $0x27ABFF  }
0xb2: {  	v0 =	vnsel vm15, $0x27ABFF, v0  }
0xb3: {  	s25 =	simm.s32 $0x4200;
	[tilespmem:s23+$0x0] =	vst v0  }
0xb4: {  	[tilespmem:s25], [sflag:$0x6] =	stream.indirect.gather [hbm4b:s3+s8], $0x1, s9, s8, $0xb8;
	[tilespmem:$0x6F00] =	vst v63  }
0xb5: {  	_ =	swait.ge [sflag:s16], $0x200  }
0xb6: {  	[sflag:s16] =	ssyncset.done $0x0  }
0xb7: {  	[sflag:s16] =	ssyncadd.s32 $0xFFFFFE00  }
0xb8: {  	_ =	swait.ge [sflag:s16], $0x200  }
0xb9: {  	[sflag:s16] =	ssyncset.done $0x0  }
0xba: {  	[sflag:s16] =	ssyncadd.s32 $0xFFFFFE00  }
0xbb: {  	_ =	swait.ge [sflag:s16], $0x200  }
0xbc: {  	[sflag:s16] =	ssyncset.done $0x0  }
0xbd: {  	[sflag:s16] =	ssyncadd.s32 $0xFFFFFE00  }
0xbe: {  	_ =	swait.ge [sflag:s16], $0x200  }
0xbf: {  	[sflag:s16] =	ssyncset.done $0x0  }
0xc0: {  	[sflag:s16] =	ssyncadd.s32 $0xFFFFFE00  }
0xc1: {  	_ =	swait.ge [sflag:s16], $0x200  }
0xc2: {  	[sflag:s16] =	ssyncset.done $0x0  }
0xc3: {  	[sflag:s16] =	ssyncadd.s32 $0xFFFFFE00  }
0xc4: {  	_ =	swait.ge [sflag:s16], $0x200  }
0xc5: {  	[sflag:s16] =	ssyncset.done $0x0  }
0xc6: {  	[sflag:s16] =	ssyncadd.s32 $0xFFFFFE00  }
0xc7: {  	s26 =	simm.s32 $0x1A00;
	s23 =	simm.s32 $0x0;
	_ =	swait.ge [sflag:s16], $0x200  }
0xc8: {  	s24 =	sand.u32 $0x3FFFFE00, s26;
	s29 =	sand.u32 $0x1F0, s23;
	[sflag:s16] =	ssyncset.done $0x0  }
0xc9: {  	s24 =	sor.u32 s29, s24;
	[sflag:s16] =	ssyncadd.s32 $0xFFFFFE00  }
0xca: {  	v0 =	vld [tilespmem:s24+$0x0];
	_ =	sdelay $0x1  }
0xcb: {  	s30 =	simm.s32 $0xD  }
0xcc: {  	s26 =	smul.u32 $0x186A0, s30  }
0xcd: {  	s28 =	simm.s32 $0x0;
	s25 =	simm.s32 $0x2  }
.LBB2_6:
0xce: {  	p0 =	sne.s32 s25, $0xDF;
	s28 =	sadd.s32 $0xD, s28;
	v0 =	vadd.s32 s26, v0  }
0xcf: {  	s23 =	sadd.s32 $0x10, s23;
	s26 =	sshll.u32 s28, $0x9;
	vm0 =	vlt.s32 v0, $0x27ABFF  }
0xd0: {  	s29 =	sand.u32 $0x1F0, s23;
	s26 =	sand.u32 $0x3FFFFE00, s26;
	v0 =	vnsel vm0, $0x27ABFF, v0  }
0xd1: {  	[tilespmem:s24+$0x0] =	vst v0;
	s24 =	sor.u32 s29, s26  }
.Ltmp2:
0xd2: {  	v0 =	vld [tilespmem:s24+$0x0];
	(pc) =	sbr.rel @p0 .LBB2_6-.Ltmp2, $3  }
0xd3: {  	_ =	sdelay $0x1  }
0xd4: {  	s26 =	smul.u32 $0x186A0, s28  }
0xd5: {  	s28 =	sshrl.u32 s25, $0x5;
	s25 =	sadd.s32 $0x1, s25  }
0xd6: {  	s25 =	sadd.s32 $0xD, s28;
	v0 =	vadd.s32 s26, v0  }
0xd7: {  	s23 =	sadd.s32 $0x10, s23;
	s30 =	sshll.u32 s25, $0x9;
	vm0 =	vlt.s32 v0, $0x27ABFF  }
0xd8: {  	s23 =	sand.u32 $0x1F0, s23;
	s26 =	sand.u32 $0x3FFFFE00, s30;
	v0 =	vnsel vm0, $0x27ABFF, v0  }
0xd9: {  	s23 =	sor.u32 s23, s26;
	[tilespmem:s24+$0x0] =	vst v0  }
0xda: {  	v0 =	vld [tilespmem:s23+$0x0];
	_ =	sdelay $0x2  }
0xdb: {  	s30 =	smul.u32 $0x186A0, s25;
	_ =	sdelay $0x1  }
0xdc: {  	v0 =	vadd.s32 s30, v0  }
0xdd: {  	vm15 =	vlt.s32 v0, $0x27ABFF  }
0xde: {  	v0 =	vnsel vm15, $0x27ABFF, v0  }
0xdf: {  	s25 =	simm.s32 $0x4E00;
	[tilespmem:s23+$0x0] =	vst v0  }
0xe0: {  	[tilespmem:s25], [sflag:$0x7] =	stream.indirect.gather [hbm4b:s3+s9], $0x1, s10, s9, $0xb8;
	[tilespmem:$0x6F00] =	vst v63  }
0xe1: {  	_ =	swait.ge [sflag:s17], $0x200  }
0xe2: {  	[sflag:s17] =	ssyncset.done $0x0  }
0xe3: {  	[sflag:s17] =	ssyncadd.s32 $0xFFFFFE00  }
0xe4: {  	_ =	swait.ge [sflag:s17], $0x200  }
0xe5: {  	[sflag:s17] =	ssyncset.done $0x0  }
0xe6: {  	[sflag:s17] =	ssyncadd.s32 $0xFFFFFE00  }
0xe7: {  	_ =	swait.ge [sflag:s17], $0x200  }
0xe8: {  	[sflag:s17] =	ssyncset.done $0x0  }
0xe9: {  	[sflag:s17] =	ssyncadd.s32 $0xFFFFFE00  }
0xea: {  	_ =	swait.ge [sflag:s17], $0x200  }
0xeb: {  	[sflag:s17] =	ssyncset.done $0x0  }
0xec: {  	[sflag:s17] =	ssyncadd.s32 $0xFFFFFE00  }
0xed: {  	_ =	swait.ge [sflag:s17], $0x200  }
0xee: {  	[sflag:s17] =	ssyncset.done $0x0  }
0xef: {  	[sflag:s17] =	ssyncadd.s32 $0xFFFFFE00  }
0xf0: {  	s24 =	simm.s32 $0x0;
	s26 =	simm.s32 $0x2800;
	_ =	swait.ge [sflag:s17], $0x200  }
0xf1: {  	s23 =	sand.u32 $0x1F0, s24;
	s25 =	sand.u32 $0x3FFFFE00, s26;
	[sflag:s17] =	ssyncset.done $0x0  }
0xf2: {  	s25 =	sor.u32 s23, s25;
	[sflag:s17] =	ssyncadd.s32 $0xFFFFFE00  }
0xf3: {  	v0 =	vld [tilespmem:s25+$0x0];
	_ =	sdelay $0x1  }
0xf4: {  	s30 =	simm.s32 $0x14  }
0xf5: {  	s28 =	smul.u32 $0x186A0, s30  }
0xf6: {  	s29 =	simm.s32 $0x0;
	s26 =	simm.s32 $0x2  }
.LBB2_8:
0xf7: {  	p0 =	sne.s32 s26, $0x9F;
	s29 =	sadd.s32 $0x14, s29;
	v0 =	vadd.s32 s28, v0  }
0xf8: {  	s24 =	sadd.s32 $0x10, s24;
	s28 =	sshll.u32 s29, $0x9;
	vm0 =	vlt.s32 v0, $0x27ABFF  }
0xf9: {  	s30 =	sand.u32 $0x1F0, s24;
	s28 =	sand.u32 $0x3FFFFE00, s28;
	v0 =	vnsel vm0, $0x27ABFF, v0  }
0xfa: {  	[tilespmem:s25+$0x0] =	vst v0;
	s25 =	sor.u32 s30, s28  }
.Ltmp3:
0xfb: {  	v0 =	vld [tilespmem:s25+$0x0];
	(pc) =	sbr.rel @p0 .LBB2_8-.Ltmp3, $3  }
0xfc: {  	_ =	sdelay $0x1  }
0xfd: {  	s28 =	smul.u32 $0x186A0, s29  }
0xfe: {  	s29 =	sshrl.u32 s26, $0x5;
	s26 =	sadd.s32 $0x1, s26  }
0xff: {  	s26 =	sadd.s32 $0x14, s29;
	v0 =	vadd.s32 s28, v0  }
0x100: {  	s24 =	sadd.s32 $0x10, s24;
	s30 =	sshll.u32 s26, $0x9;
	vm0 =	vlt.s32 v0, $0x27ABFF  }
0x101: {  	s24 =	sand.u32 $0x1F0, s24;
	s28 =	sand.u32 $0x3FFFFE00, s30;
	v0 =	vnsel vm0, $0x27ABFF, v0  }
0x102: {  	s24 =	sor.u32 s24, s28;
	[tilespmem:s25+$0x0] =	vst v0  }
0x103: {  	v0 =	vld [tilespmem:s24+$0x0];
	_ =	sdelay $0x2  }
0x104: {  	s29 =	smul.u32 $0x186A0, s26;
	_ =	sdelay $0x1  }
0x105: {  	v0 =	vadd.s32 s29, v0  }
0x106: {  	vm13 =	vlt.s32 v0, $0x27ABFF  }
0x107: {  	v0 =	vnsel vm13, $0x27ABFF, v0  }
0x108: {  	[tilespmem:s24+$0x0] =	vst v0  }
0x109: {  	v0 =	vld [tilespmem:s23+$0x3200];
	_ =	sdelay $0x4  }
0x10a: {  	vm14 =	vgt.s32 v0, $0x1865F  }
0x10b: {  	v1 =	vadd.s32 $0x2625A0, v0;
	v0 =	vnsel vm14, $0x1865F, v0  }
0x10c: {  	s24 =	simm.s32 $0x6800;
	vm15 =	vlt.s32 v1, $0x27ABFF;
	v0 =	vadd.s32 $0xFFFE79A1, v0  }
0x10d: {  	s30 =	simm.s32 $0x10;
	[tilespmem:s24+$0x0] =	vst v0;
	v0 =	vnsel vm15, $0x27ABFF, v1  }
0x10e: {  	s25 =	sand.u32 $0x1F0, s30;
	[tilespmem:s23+$0x3200] =	vst v0  }
0x10f: {  	s23 =	simm.s32 $0x20;
	v0 =	vld [tilespmem:s25+$0x3200]  }
.LBB2_10:
0x110: {  	p0 =	sne.s32 s23, $0x1F0;
	_ =	sdelay $0x3  }
0x111: {  	vm0 =	vgt.s32 v0, $0x1865F;
	v1 =	vadd.s32 $0x2625A0, v0  }
.Ltmp4:
0x112: {  	v0 =	vnsel vm0, $0x1865F, v0;
	(pc) =	sbr.rel @p0 .LBB2_10-.Ltmp4, $4  }
0x113: {  	s24 =	sadd.s32 $0x10, s24;
	vm0 =	vlt.s32 v1, $0x27ABFF;
	v0 =	vadd.s32 $0xFFFE79A1, v0  }
0x114: {  	[tilespmem:s24+$0x0] =	vst v0;
	v0 =	vnsel vm0, $0x27ABFF, v1  }
0x115: {  	[tilespmem:s25+$0x3200] =	vst v0;
	s25 =	sand.u32 $0x1F0, s23  }
0x116: {  	s23 =	sadd.s32 $0x10, s23;
	v0 =	vld [tilespmem:s25+$0x3200]  }
0x117: {  	_ =	sdelay $0x3  }
0x118: {  	vm0 =	vgt.s32 v0, $0x1865F  }
0x119: {  	v1 =	vadd.s32 $0x2625A0, v0;
	v0 =	vnsel vm0, $0x1865F, v0  }
0x11a: {  	s23 =	sadd.s32 $0x10, s24;
	vm15 =	vlt.s32 v1, $0x27ABFF;
	v0 =	vadd.s32 $0xFFFE79A1, v0  }
0x11b: {  	[tilespmem:s23+$0x0] =	vst v0;
	v0 =	vnsel vm15, $0x27ABFF, v1  }
0x11c: {  	s26 =	simm.s32 $0x5C00;
	[tilespmem:s25+$0x3200] =	vst v0  }
0x11d: {  	[tilespmem:s26], [sflag:$0x8] =	stream.indirect.gather [hbm4b:s3+s8], $0x1, s11, s8, $0xb8;
	[tilespmem:$0x6F00] =	vst v63  }
0x11e: {  	v0 =	vld [tilespmem:$0x6E80];
	_ =	swait.ge [sflag:s18], $0xE00  }
0x11f: {  	[sflag:s18] =	ssyncset.done $0x0  }
0x120: {  	s28 =	simm.s32 $0x3400;
	[sflag:s18] =	ssyncadd.s32 $0xFFFFF200  }
0x121: {  	s29 =	simm.s32 $0x0;
	v1 =	vld [tilespmem:s28+$0x0]  }
0x122: {  	s30 =	sand.u32 $0x1F0, s29  }
0x123: {  	v2 =	vld [tilespmem:s30+$0x3600];
	_ =	sdelay $0x1  }
0x124: {  	v3 =	vld [tilespmem:s30+$0x3800]  }
0x125: {  	v1 =	vadd.f32 v1, v0  }
0x126: {  	v4 =	vld [tilespmem:s30+$0x3A00]  }
0x127: {  	v1 =	vadd.f32 v2, v1  }
0x128: {  	v2 =	vld [tilespmem:s30+$0x3C00]  }
0x129: {  	v1 =	vadd.f32 v3, v1  }
0x12a: {  	v3 =	vld [tilespmem:s30+$0x3E00]  }
0x12b: {  	v1 =	vadd.f32 v4, v1  }
0x12c: {  	v63 =	vld [tilespmem:s30+$0x4000]  }
0x12d: {  	v1 =	vadd.f32 v2, v1;
	_ =	sdelay $0x1  }
0x12e: {  	v1 =	vadd.f32 v3, v1;
	_ =	sdelay $0x1  }
0x12f: {  	v1 =	vadd.f32 v63, v1  }
0x130: {  	s23 =	simm.s32 $0x6A80  }
0x131: {  	s24 =	simm.s32 $0x3410;
	[tilespmem:s23+$0x0] =	vst v1  }
0x132: {  	s25 =	simm.s32 $0x10;
	s26 =	simm.s32 $0x20;
	v1 =	vld [tilespmem:s24+$0x0]  }
.LBB2_12:
0x133: {  	p0 =	sne.s32 s26, $0x1F0;
	s28 =	sand.u32 $0x1F0, s25;
	s25 =	smov.u32 s26  }
0x134: {  	v2 =	vld [tilespmem:s28+$0x3600];
	_ =	sdelay $0x1  }
0x135: {  	v3 =	vld [tilespmem:s28+$0x3800]  }
0x136: {  	v1 =	vadd.f32 v1, v0  }
0x137: {  	v4 =	vld [tilespmem:s28+$0x3A00]  }
0x138: {  	v1 =	vadd.f32 v2, v1  }
0x139: {  	v2 =	vld [tilespmem:s28+$0x3C00]  }
0x13a: {  	v1 =	vadd.f32 v3, v1  }
0x13b: {  	v3 =	vld [tilespmem:s28+$0x3E00]  }
0x13c: {  	v1 =	vadd.f32 v4, v1  }
0x13d: {  	v4 =	vld [tilespmem:s28+$0x4000]  }
0x13e: {  	v1 =	vadd.f32 v2, v1;
	_ =	sdelay $0x1  }
0x13f: {  	v1 =	vadd.f32 v3, v1  }
.Ltmp5:
0x140: {  	(pc) =	sbr.rel @p0 .LBB2_12-.Ltmp5, $4  }
0x141: {  	v1 =	vadd.f32 v4, v1  }
0x142: {  	s23 =	sadd.s32 $0x10, s23  }
0x143: {  	s24 =	sadd.s32 $0x10, s24;
	[tilespmem:s23+$0x0] =	vst v1  }
0x144: {  	s26 =	sadd.s32 $0x10, s26;
	v1 =	vld [tilespmem:s24+$0x0]  }
0x145: {  	s24 =	sand.u32 $0x1F0, s25  }
0x146: {  	v2 =	vld [tilespmem:s24+$0x3600];
	_ =	sdelay $0x1  }
0x147: {  	v3 =	vld [tilespmem:s24+$0x3800]  }
0x148: {  	v0 =	vadd.f32 v1, v0  }
0x149: {  	v1 =	vld [tilespmem:s24+$0x3A00]  }
0x14a: {  	v0 =	vadd.f32 v2, v0  }
0x14b: {  	v2 =	vld [tilespmem:s24+$0x3C00]  }
0x14c: {  	v0 =	vadd.f32 v3, v0  }
0x14d: {  	v3 =	vld [tilespmem:s24+$0x3E00]  }
0x14e: {  	v0 =	vadd.f32 v1, v0  }
0x14f: {  	v1 =	vld [tilespmem:s24+$0x4000]  }
0x150: {  	v0 =	vadd.f32 v2, v0;
	_ =	sdelay $0x1  }
0x151: {  	v0 =	vadd.f32 v3, v0;
	_ =	sdelay $0x1  }
0x152: {  	v0 =	vadd.f32 v1, v0  }
0x153: {  	s23 =	sadd.s32 $0x10, s23  }
0x154: {  	[tilespmem:s23+$0x0] =	vst v0  }
0x155: {  	_ =	swait.ge [sflag:s19], $0xC00  }
0x156: {  	s30 =	simm.s32 $0x0;
	[sflag:s19] =	ssyncset.done $0x0  }
0x157: {  	s24 =	sand.u32 $0x1F0, s30;
	[sflag:s19] =	ssyncadd.s32 $0xFFFFF400  }
0x158: {  	s25 =	simm.s32 $0x10;
	s23 =	simm.s32 $0x6A80;
	v0 =	vld [tilespmem:s24+$0x4200]  }
.LBB2_14:
0x159: {  	p0 =	sne.s32 s25, $0x1F0;
	v1 =	vld [tilespmem:s23+$0x0];
	_ =	sdelay $0x1  }
0x15a: {  	v2 =	vld [tilespmem:s24+$0x4400];
	_ =	sdelay $0x1  }
0x15b: {  	v3 =	vld [tilespmem:s24+$0x4600]  }
0x15c: {  	v0 =	vadd.f32 v0, v1  }
0x15d: {  	v1 =	vld [tilespmem:s24+$0x4800]  }
0x15e: {  	v0 =	vadd.f32 v2, v0  }
0x15f: {  	v2 =	vld [tilespmem:s24+$0x4A00]  }
0x160: {  	v0 =	vadd.f32 v3, v0  }
0x161: {  	v3 =	vld [tilespmem:s24+$0x4C00]  }
0x162: {  	v0 =	vadd.f32 v1, v0;
	_ =	sdelay $0x1  }
0x163: {  	v0 =	vadd.f32 v2, v0  }
.Ltmp6:
0x164: {  	(pc) =	sbr.rel @p0 .LBB2_14-.Ltmp6, $3  }
0x165: {  	v0 =	vadd.f32 v3, v0;
	_ =	sdelay $0x1  }
0x166: {  	s24 =	sand.u32 $0x1F0, s25;
	[tilespmem:s23+$0x0] =	vst v0  }
0x167: {  	s25 =	sadd.s32 $0x10, s25;
	s23 =	sadd.s32 $0x10, s23;
	v0 =	vld [tilespmem:s24+$0x4200]  }
0x168: {  	v1 =	vld [tilespmem:s23+$0x0];
	_ =	sdelay $0x1  }
0x169: {  	v2 =	vld [tilespmem:s24+$0x4400];
	_ =	sdelay $0x1  }
0x16a: {  	v3 =	vld [tilespmem:s24+$0x4600]  }
0x16b: {  	v0 =	vadd.f32 v0, v1  }
0x16c: {  	v1 =	vld [tilespmem:s24+$0x4800]  }
0x16d: {  	v0 =	vadd.f32 v2, v0  }
0x16e: {  	v2 =	vld [tilespmem:s24+$0x4A00]  }
0x16f: {  	v0 =	vadd.f32 v3, v0  }
0x170: {  	v3 =	vld [tilespmem:s24+$0x4C00]  }
0x171: {  	v0 =	vadd.f32 v1, v0;
	_ =	sdelay $0x1  }
0x172: {  	v0 =	vadd.f32 v2, v0;
	_ =	sdelay $0x1  }
0x173: {  	v0 =	vadd.f32 v3, v0;
	_ =	sdelay $0x1  }
0x174: {  	[tilespmem:s23+$0x0] =	vst v0  }
0x175: {  	_ =	swait.ge [sflag:s20], $0xE00  }
0x176: {  	s30 =	simm.s32 $0x0;
	[sflag:s20] =	ssyncset.done $0x0  }
0x177: {  	s24 =	sand.u32 $0x1F0, s30;
	[sflag:s20] =	ssyncadd.s32 $0xFFFFF200  }
0x178: {  	s25 =	simm.s32 $0x10;
	s23 =	simm.s32 $0x6A80;
	v0 =	vld [tilespmem:s24+$0x4E00]  }
.LBB2_16:
0x179: {  	p0 =	sne.s32 s25, $0x1F0;
	v1 =	vld [tilespmem:s23+$0x0];
	_ =	sdelay $0x1  }
0x17a: {  	v2 =	vld [tilespmem:s24+$0x5000];
	_ =	sdelay $0x1  }
0x17b: {  	v3 =	vld [tilespmem:s24+$0x5200]  }
0x17c: {  	v0 =	vadd.f32 v0, v1  }
0x17d: {  	v1 =	vld [tilespmem:s24+$0x5400]  }
0x17e: {  	v0 =	vadd.f32 v2, v0  }
0x17f: {  	v2 =	vld [tilespmem:s24+$0x5600]  }
0x180: {  	v0 =	vadd.f32 v3, v0  }
0x181: {  	v3 =	vld [tilespmem:s24+$0x5800]  }
0x182: {  	v0 =	vadd.f32 v1, v0  }
0x183: {  	v1 =	vld [tilespmem:s24+$0x5A00]  }
0x184: {  	v0 =	vadd.f32 v2, v0;
	_ =	sdelay $0x1  }
0x185: {  	v0 =	vadd.f32 v3, v0  }
.Ltmp7:
0x186: {  	(pc) =	sbr.rel @p0 .LBB2_16-.Ltmp7, $3  }
0x187: {  	v0 =	vadd.f32 v1, v0;
	_ =	sdelay $0x1  }
0x188: {  	s24 =	sand.u32 $0x1F0, s25;
	[tilespmem:s23+$0x0] =	vst v0  }
0x189: {  	s25 =	sadd.s32 $0x10, s25;
	s23 =	sadd.s32 $0x10, s23;
	v0 =	vld [tilespmem:s24+$0x4E00]  }
0x18a: {  	v1 =	vld [tilespmem:s23+$0x0];
	_ =	sdelay $0x1  }
0x18b: {  	v2 =	vld [tilespmem:s24+$0x5000];
	_ =	sdelay $0x1  }
0x18c: {  	v3 =	vld [tilespmem:s24+$0x5200]  }
0x18d: {  	v0 =	vadd.f32 v0, v1  }
0x18e: {  	v1 =	vld [tilespmem:s24+$0x5400]  }
0x18f: {  	v0 =	vadd.f32 v2, v0  }
0x190: {  	v2 =	vld [tilespmem:s24+$0x5600]  }
0x191: {  	v0 =	vadd.f32 v3, v0  }
0x192: {  	v3 =	vld [tilespmem:s24+$0x5800]  }
0x193: {  	v0 =	vadd.f32 v1, v0  }
0x194: {  	v1 =	vld [tilespmem:s24+$0x5A00]  }
0x195: {  	v0 =	vadd.f32 v2, v0;
	_ =	sdelay $0x1  }
0x196: {  	v0 =	vadd.f32 v3, v0;
	_ =	sdelay $0x1  }
0x197: {  	v0 =	vadd.f32 v1, v0;
	_ =	sdelay $0x1  }
0x198: {  	[tilespmem:s23+$0x0] =	vst v0  }
0x199: {  	_ =	swait.ge [sflag:s21], $0xC00  }
0x19a: {  	[sflag:s21] =	ssyncset.done $0x0  }
0x19b: {  	s26 =	simm.s32 $0x6800;
	[sflag:s21] =	ssyncadd.s32 $0xFFFFF400  }
0x19c: {  	s29 =	simm.s32 $0x0;
	v0 =	vld [tilespmem:s26+$0x0]  }
0x19d: {  	s30 =	sand.u32 $0x1F0, s29  }
0x19e: {  	s23 =	simm.s32 $0x6A80;
	v1 =	vld [tilespmem:s30+$0x5C00]  }
0x19f: {  	v2 =	vld [tilespmem:s23+$0x0];
	_ =	sdelay $0x1  }
0x1a0: {  	v4 =	vld [tilespmem:s30+$0x5E00];
	v3 =	vadd.s32 $0xFFFFFFFF, v0  }
0x1a1: {  	vm0 =	vgt.s32 v3, $0x0  }
0x1a2: {  	v5 =	vld [tilespmem:s30+$0x6000];
	v3 =	vnsel vm0, $0x0, v3  }
0x1a3: {  	v1 =	vadd.f32 v1, v2  }
0x1a4: {  	v2 =	vld [tilespmem:s30+$0x6200]  }
0x1a5: {  	v62 =	vld [tilespmem:s30+$0x6400];
	v1 =	vadd.f32 v4, v1  }
0x1a6: {  	v63 =	vld [tilespmem:s30+$0x6600]  }
0x1a7: {  	v1 =	vadd.f32 v5, v1;
	v3 =	vld.idx.msk [tilespmem:v3+s13+$0x0], $0xffff;
	_ =	sdelay $0x1  }
0x1a8: {  	v1 =	vadd.f32 v2, v1;
	_ =	sdelay $0x1  }
0x1a9: {  	vm15 =	vgt.s32 v0, $0x0;
	v1 =	vadd.f32 v62, v1  }
0x1aa: {  	v0 =	vsel vm15, v3, v63  }
0x1ab: {  	v0 =	vadd.f32 v0, v1;
	_ =	sdelay $0x1  }
0x1ac: {  	v0 =	vsub.f32 $0.0e+00, v0;
	_ =	sdelay $0x1  }
0x1ad: {  	v0 =	vmul.f32 $1.442695020e+00, v0;
	_ =	sdelay $0x1  }
0x1ae: {  	(erf) = vpow2.f32 v0;
	_ =	sdelay $0x8  }
0x1af: {  	v0 =	vpop (erf)  }
0x1b0: {  	v0 =	vadd.f32 $1.000000000e+00, v0;
	_ =	sdelay $0x1  }
0x1b1: {  	(erf) = vrcp.f32 v0;
	_ =	sdelay $0x8  }
0x1b2: {  	s24 =	simm.s32 $0x6C80;
	v0 =	vpop (erf)  }
0x1b3: {  	s25 =	simm.s32 $0x6810;
	[tilespmem:s24+$0x0] =	vst v0  }
0x1b4: {  	s28 =	simm.s32 $0x20;
	s26 =	simm.s32 $0x10;
	v0 =	vld [tilespmem:s25+$0x0]  }
.LBB2_18:
0x1b5: {  	p0 =	sne.s32 s28, $0x1F0  }
0x1b6: {  	s29 =	sand.u32 $0x1F0, s26;
	s26 =	smov.u32 s28  }
0x1b7: {  	s23 =	sadd.s32 $0x10, s23;
	v1 =	vld [tilespmem:s29+$0x5C00]  }
0x1b8: {  	v2 =	vld [tilespmem:s23+$0x0]  }
0x1b9: {  	v3 =	vadd.s32 $0xFFFFFFFF, v0  }
0x1ba: {  	v4 =	vld [tilespmem:s29+$0x5E00];
	vm0 =	vgt.s32 v3, $0x0  }
0x1bb: {  	v3 =	vnsel vm0, $0x0, v3  }
0x1bc: {  	v5 =	vld [tilespmem:s29+$0x6000]  }
0x1bd: {  	v1 =	vadd.f32 v1, v2  }
0x1be: {  	v2 =	vld [tilespmem:s29+$0x6200]  }
0x1bf: {  	v1 =	vadd.f32 v4, v1;
	v4 =	vld [tilespmem:s29+$0x6400]  }
0x1c0: {  	v3 =	vld.idx.msk [tilespmem:v3+s13+$0x0], $0xffff  }
0x1c1: {  	v1 =	vadd.f32 v5, v1;
	v5 =	vld [tilespmem:s29+$0x6600];
	_ =	sdelay $0x1  }
0x1c2: {  	v1 =	vadd.f32 v2, v1;
	_ =	sdelay $0x1  }
0x1c3: {  	vm0 =	vgt.s32 v0, $0x0;
	v1 =	vadd.f32 v4, v1  }
0x1c4: {  	v0 =	vsel vm0, v3, v5  }
0x1c5: {  	v0 =	vadd.f32 v0, v1;
	_ =	sdelay $0x1  }
0x1c6: {  	v0 =	vsub.f32 $0.0e+00, v0;
	_ =	sdelay $0x1  }
0x1c7: {  	v0 =	vmul.f32 $1.442695020e+00, v0;
	_ =	sdelay $0x1  }
0x1c8: {  	(erf) = vpow2.f32 v0;
	_ =	sdelay $0x8  }
0x1c9: {  	v0 =	vpop (erf)  }
0x1ca: {  	v0 =	vadd.f32 $1.000000000e+00, v0;
	_ =	sdelay $0x1  }
0x1cb: {  	(erf) = vrcp.f32 v0;
	_ =	sdelay $0x6  }
.Ltmp8:
0x1cc: {  	(pc) =	sbr.rel @p0 .LBB2_18-.Ltmp8, $4  }
0x1cd: {  	_ = 	snop  }
0x1ce: {  	s24 =	sadd.s32 $0x10, s24;
	v0 =	vpop (erf)  }
0x1cf: {  	s25 =	sadd.s32 $0x10, s25;
	[tilespmem:s24+$0x0] =	vst v0  }
0x1d0: {  	s28 =	sadd.s32 $0x10, s28;
	v0 =	vld [tilespmem:s25+$0x0]  }
0x1d1: {  	s25 =	sand.u32 $0x1F0, s26  }
0x1d2: {  	s23 =	sadd.s32 $0x10, s23;
	v1 =	vld [tilespmem:s25+$0x5C00]  }
0x1d3: {  	v2 =	vld [tilespmem:s23+$0x0];
	_ =	sdelay $0x1  }
0x1d4: {  	v4 =	vld [tilespmem:s25+$0x5E00];
	v3 =	vadd.s32 $0xFFFFFFFF, v0  }
0x1d5: {  	vm0 =	vgt.s32 v3, $0x0  }
0x1d6: {  	v5 =	vld [tilespmem:s25+$0x6000];
	v3 =	vnsel vm0, $0x0, v3  }
0x1d7: {  	v1 =	vadd.f32 v1, v2  }
0x1d8: {  	v61 =	vld [tilespmem:s25+$0x6200]  }
0x1d9: {  	v62 =	vld [tilespmem:s25+$0x6400];
	v1 =	vadd.f32 v4, v1  }
0x1da: {  	v63 =	vld [tilespmem:s25+$0x6600]  }
0x1db: {  	v1 =	vadd.f32 v5, v1;
	v3 =	vld.idx.msk [tilespmem:v3+s13+$0x0], $0xffff;
	_ =	sdelay $0x1  }
0x1dc: {  	v1 =	vadd.f32 v61, v1;
	_ =	sdelay $0x1  }
0x1dd: {  	vm15 =	vgt.s32 v0, $0x0;
	v1 =	vadd.f32 v62, v1  }
0x1de: {  	v0 =	vsel vm15, v3, v63  }
0x1df: {  	v0 =	vadd.f32 v0, v1;
	_ =	sdelay $0x1  }
0x1e0: {  	v0 =	vsub.f32 $0.0e+00, v0;
	_ =	sdelay $0x1  }
0x1e1: {  	v0 =	vmul.f32 $1.442695020e+00, v0;
	_ =	sdelay $0x1  }
0x1e2: {  	(erf) = vpow2.f32 v0;
	_ =	sdelay $0x8  }
0x1e3: {  	v0 =	vpop (erf)  }
0x1e4: {  	v0 =	vadd.f32 $1.000000000e+00, v0;
	_ =	sdelay $0x1  }
0x1e5: {  	(erf) = vrcp.f32 v0;
	_ =	sdelay $0x8  }
0x1e6: {  	s26 =	sadd.s32 $0x10, s24;
	v0 =	vpop (erf)  }
0x1e7: {  	s28 =	rddreg [dreg:$0x16];
	s29 =	simm.s32 $0x6C80;
	[tilespmem:s26+$0x0] =	vst v0  }
0x1e8: {  	[hbm4b:s28+s2] =	stream.linear.scatter [tilespmem:s29], [sflag:$0x9], $0x200, $0x38;
	[tilespmem:$0x6F00] =	vst v63  }
0x1e9: {  	_ =	swait.ge [sflag:s14], $0x200  }
0x1ea: {  	s22 =	sadd.s32 $0x1, s22;
	s30 =	rddreg [dreg:$0x18]  }
0x1eb: {  	p0 =	sne.s32 s22, s30  }
.Ltmp9:
0x1ec: {  	_ = 	snop;
	(pc) =	sbr.rel @p0 .LBB2_1-.Ltmp9, $3  }
0x1ed: {  	_ =	sdelay $0x1  }
0x1ee: {  	[sflag:s14] =	ssyncset.done $0x0  }
0x1ef: {  	[sflag:s14] =	ssyncadd.s32 $0xFFFFFE00  }
0x1f0: {  	_ =	sfence.sel $0x180000  }
0x1f1: {  	[bflag:$0x0] =	sbarrier.arrive $0xFFFF  }
0x1f2: {  	_ =	strace $0x90000047  }
0x1f3: {  	s0 =	stileid.u32;
	[bflag:$0x2] =	sbarrier.arrive $0xFFFF  }
0x1f4: {  	p0 =	sne.s32 s0, $0x0;
	s0 =	rddreg [dreg:$0x3]  }
0x1f5: {  	s0 =	sadd.s32 @!p0 $0x100000, s0  }
0x1f6: {  	[sflag:s0] =	ssyncadd.tile.s32 @!p0 $0x1;
	_ =	shalt  }
.Lfunc_end2:
_tile_overlayer_lowered:
.L_overlay_start_2:
0x1f7: {  	(tag) =	ssettag $0x2  }
0x1f8: {  	s0 =	rddreg [dreg:$0x0];
	s2 =	stileid.u32  }
0x1f9: {  	s1 =	rddreg [dreg:$0x1];
	p0 =	sne.s32 s2, $0x0  }
0x1fa: {  	s3 =	rddreg [dreg:$0x2];
	[bflag:$0x3] =	sbarrier.arrive $0xFFFF;
	s2 =	simm.s32 @!p0 $0x1C09  }
0x1fb: {  	[timem:s3], [sflag:s2] =	dma.local @!p0 [hbm:s0], s1  }
0x1fc: {  	s0 =	simm.s32 @!p0 $0x9  }
0x1fd: {  	_ =	swait.ge @!p0 [sflag:s0], s1  }
0x1fe: {  	s1 =	ssub.s32 @!p0 $0x0, s1;
	[sflag:s0] =	ssyncset.done @!p0 $0x0  }
0x1ff: {  	[sflag:s0] =	ssyncadd.s32 @!p0 s1  }
0x200: {  	[bflag:$0x3] =	sbarrier.arrive $0xFFFF  }
0x201: {  	_ =	shalt  }

</sc_bundles>
